<compile_context>
chip_gen: v7x
topology: tpu7x:2x2x1
jax: 0.10.2.dev20260603
libtpu: 0.0.44.dev20260713+nightly
codegen_flags: <defaults>
</compile_context>

<pallas_src>
import functools
import math

import jax
import jax.numpy as jnp
from jax import lax
from jax.experimental import pallas as pl
from jax.experimental.pallas import tpu as pltpu
from jax.experimental.pallas import tpu_sc as plsc

D_EMB = 128
SEQ = 200
BATCH = 1024
NUM_CORES = 2
NUM_SUBCORES = 16
NW = NUM_CORES * NUM_SUBCORES
ROWS_PER_W = BATCH // NW
LANES = 16
SCALE = math.sqrt(float(D_EMB))
GATHER_SPLITS = ((0, 128), (128, 72))


def kernel(x, table, pe):
    B, S = x.shape
    V, D = table.shape
    assert (B, S, D) == (BATCH, SEQ, D_EMB)
    xf = x.reshape(B * S).astype(jnp.int32)
    pe_s = pe[:S]

    mesh = plsc.VectorSubcoreMesh(core_axis_name="c", subcore_axis_name="s")

    @functools.partial(
        pl.kernel,
        out_type=jax.ShapeDtypeStruct((B * S, D), jnp.float32),
        mesh=mesh,
        scratch_types=[
            pltpu.VMEM((ROWS_PER_W * SEQ,), jnp.int32),
            pltpu.VMEM((SEQ, D_EMB), jnp.float32),
            pltpu.VMEM((SEQ, D_EMB), jnp.float32),
            pltpu.VMEM((SEQ, D_EMB), jnp.float32),
            pltpu.SemaphoreType.DMA,
            pltpu.SemaphoreType.DMA,
            pltpu.SemaphoreType.DMA,
            pltpu.SemaphoreType.DMA,
        ],
    )
    def emb_kernel(table_hbm, xf_hbm, pe_hbm, out_hbm, idx_v, pe_v,
                   rows0, rows1, g0, g1, w0, w1):
        wid = lax.axis_index("s") * NUM_CORES + lax.axis_index("c")
        rows = (rows0, rows1)
        gsem = (g0, g1)
        wsem = (w0, w1)

        pltpu.sync_copy(xf_hbm.at[pl.ds(wid * (ROWS_PER_W * SEQ), ROWS_PER_W * SEQ)],
                        idx_v)
        pltpu.sync_copy(pe_hbm, pe_v)

        def gather_copies(r, b):
            for off, win in GATHER_SPLITS:
                yield pltpu.make_async_copy(
                    table_hbm.at[idx_v.at[pl.ds(r * SEQ + off, win)]],
                    rows[b].at[pl.ds(off, win)],
                    gsem[b],
                )

        def gather_start(r, b):
            for c in gather_copies(r, b):
                c.start()

        def gather_wait(r, b):
            for c in gather_copies(r, b):
                c.wait()

        def write_start(r, b):
            pltpu.async_copy(
                rows[b], out_hbm.at[pl.ds((wid * ROWS_PER_W + r) * SEQ, SEQ)],
                wsem[b])

        def write_wait(b):
            pltpu.make_async_copy(
                rows[b], out_hbm.at[pl.ds(0, SEQ)], wsem[b]).wait()

        def substep(r, b, first=False):
            nb = 1 - b

            @pl.when(r + 1 < ROWS_PER_W)
            def _():
                if not first:
                    write_wait(nb)
                gather_start(r + 1, nb)

            gather_wait(r, b)

            buf = rows[b]

            @pl.loop(0, SEQ)
            def _tok(i):
                for c in range(D_EMB // LANES):
                    sl = pl.ds(c * LANES, LANES)
                    buf[i, sl] = buf[i, sl] * SCALE + pe_v[i, sl]

            write_start(r, b)

        gather_start(0, 0)
        substep(0, 0, first=True)

        @pl.loop(0, (ROWS_PER_W - 2) // 2)
        def _grp(g):
            substep(2 * g + 1, 1)
            substep(2 * g + 2, 0)

        substep(ROWS_PER_W - 1, 1)

        write_wait(0)
        write_wait(1)

    out = emb_kernel(table, xf, pe_s)
    return out.reshape(B, S, D)

# --- scband reference (transcript-rebuilt; emitter-appended) ---
"""Pipeline reference for scband-embeddings-11278584119368 (READ-ONLY COPY).

The authoritative reference and input builder live on the scoring server;
editing this copy changes nothing except your own understanding.
"""

import jax, jax.numpy as jnp
import numpy as np

VOCAB = 100000
D_EMBED = 128
D_SEQ = 2048


def make_sinusoid_pe(d_seq, d_embed):
    # PE(pos,2i)=sin(pos/10000^(2i/d)), PE(pos,2i+1)=cos(pos/10000^(2i/d))
    wavelengths = jnp.exp(jnp.arange(0, d_embed, 2, dtype=jnp.float32) / d_embed * -jnp.log(jnp.float32(10000.0)))
    pos = jnp.arange(0, d_seq, dtype=jnp.float32)[:, None]
    pe = jnp.zeros((d_seq, d_embed), dtype=jnp.float32)
    pe = pe.at[:, 0::2].set(jnp.sin(pos * wavelengths))
    pe = pe.at[:, 1::2].set(jnp.cos(pos * wavelengths))
    return pe


def setup_inputs(seed: int = 0) -> dict:
    key = jax.random.key(seed)
    k1, k2 = jax.random.split(key)
    x = jax.random.randint(k1, (1024, 200), 0, VOCAB, dtype=jnp.int64 if jax.config.jax_enable_x64 else jnp.int32)
    table = jax.random.normal(k2, (VOCAB, D_EMBED), dtype=jnp.float32) * 0.02
    pe = make_sinusoid_pe(D_SEQ, D_EMBED)
    return {"x": x, "table": table, "pe": pe}


def reference(x, table, pe):
    # embedded = embedding(x) * sqrt(d_embed)
    embedded = jnp.take(table, x, axis=0) * jnp.sqrt(jnp.float32(D_EMBED))
    # positional_encoding(x.size(1)) -> first seq_len rows of the fixed sinusoid table
    seq_len = x.shape[1]
    positions = pe[:seq_len]  # [seq_len, d_embed], broadcasts over batch
    out = embedded + positions[None, :, :]
    # dropout with p=0.0 is identity
    return out

if __name__ == "__main__":
    import jax
    _d = setup_inputs()
    print(jax.jit(kernel)(*tuple(_d.values())))

</pallas_src>

<mosaic_0001>
#map = affine_map<(d0, d1) -> (0, 0)>
#map1 = affine_map<(d0, d1) -> (0)>
module attributes {stable_mosaic.version = 14 : i64} {
  func.func @emb_kernel(%arg0: i32, %arg1: i32, %arg2: memref<100000x128xf32, #tpu.memory_space<hbm>>, %arg3: memref<204800xi32, #tpu.memory_space<hbm>>, %arg4: memref<200x128xf32, #tpu.memory_space<hbm>>, %arg5: memref<204800x128xf32, #tpu.memory_space<hbm>>, %arg6: memref<6400xi32, #tpu.memory_space<vmem>>, %arg7: memref<200x128xf32, #tpu.memory_space<vmem>>, %arg8: memref<200x128xf32, #tpu.memory_space<vmem>>, %arg9: memref<200x128xf32, #tpu.memory_space<vmem>>, %arg10: memref<!tpu.dma_semaphore, #tpu.memory_space<semaphore_mem>>, %arg11: memref<!tpu.dma_semaphore, #tpu.memory_space<semaphore_mem>>, %arg12: memref<!tpu.dma_semaphore, #tpu.memory_space<semaphore_mem>>, %arg13: memref<!tpu.dma_semaphore, #tpu.memory_space<semaphore_mem>>) attributes {dimension_semantics = [#tpu.dimension_semantics<core_parallel>, #tpu.dimension_semantics<subcore_parallel>], iteration_bounds = array<i64: 2, 16>, scalar_prefetch = 0 : i64, scratch_operands = 8 : i64, tpu.core_type = #tpu.core_type<sc_vector_subcore>, window_params = [{transform_indices = #map}, {transform_indices = #map1}, {transform_indices = #map}, {transform_indices = #map}]} {
    %mul3A = arith.constant 2 : i32
    %mul3A_0 = arith.muli %arg1, %mul3A : i32
    %add3A = arith.addi %mul3A_0, %arg0 : i32
    %mul3A_1 = arith.constant 6400 : i32
    %mul3A_2 = arith.muli %add3A, %mul3A_1 : i32
    "tpu.region"() ({
      %run_scoped3A = tpu.sem_alloc : memref<!tpu.dma_semaphore, #tpu.memory_space<semaphore_mem>>
      %dma_start3A_111 = tpu.memref_slice %arg3[%mul3A_2] : memref<204800xi32, #tpu.memory_space<hbm>> -> memref<6400xi32, #tpu.memory_space<hbm>>
      %dma_start3A_112 = tpu.memref_slice %arg3[%mul3A_2] : memref<204800xi32, #tpu.memory_space<hbm>> -> memref<6400xi32, #tpu.memory_space<hbm>>
      tpu.enqueue_dma source(%dma_start3A_112 : memref<6400xi32, #tpu.memory_space<hbm>>) target(%arg6 : memref<6400xi32, #tpu.memory_space<vmem>>) target_semaphore(%run_scoped3A : memref<!tpu.dma_semaphore, #tpu.memory_space<semaphore_mem>>)
      %dma_wait3A_113 = tpu.memref_slice %arg3[%mul3A_2] : memref<204800xi32, #tpu.memory_space<hbm>> -> memref<6400xi32, #tpu.memory_space<hbm>>
      %dma_wait3A_114 = tpu.memref_slice %arg3[%mul3A_2] : memref<204800xi32, #tpu.memory_space<hbm>> -> memref<6400xi32, #tpu.memory_space<hbm>>
      tpu.wait_dma2 semaphore(%run_scoped3A : memref<!tpu.dma_semaphore, #tpu.memory_space<semaphore_mem>>) src(%dma_wait3A_114 : memref<6400xi32, #tpu.memory_space<hbm>>) dst(%arg6 : memref<6400xi32, #tpu.memory_space<vmem>>)
      tpu.yield
    }) : () -> ()
    "tpu.region"() ({
      %run_scoped3A = tpu.sem_alloc : memref<!tpu.dma_semaphore, #tpu.memory_space<semaphore_mem>>
      tpu.enqueue_dma source(%arg4 : memref<200x128xf32, #tpu.memory_space<hbm>>) target(%arg7 : memref<200x128xf32, #tpu.memory_space<vmem>>) target_semaphore(%run_scoped3A : memref<!tpu.dma_semaphore, #tpu.memory_space<semaphore_mem>>)
      tpu.wait_dma2 semaphore(%run_scoped3A : memref<!tpu.dma_semaphore, #tpu.memory_space<semaphore_mem>>) src(%arg4 : memref<200x128xf32, #tpu.memory_space<hbm>>) dst(%arg7 : memref<200x128xf32, #tpu.memory_space<vmem>>)
      tpu.yield
    }) : () -> ()
    %dma_start3A = arith.constant 0 : i32
    %dma_start3A_3 = arith.constant 0 : i32
    %dma_start3A_4 = tpu.memref_slice %arg8[%dma_start3A, %dma_start3A_3] : memref<200x128xf32, #tpu.memory_space<vmem>> -> memref<128x128xf32, #tpu.memory_space<vmem>>
    %dma_start3A_5 = arith.constant 0 : i32
    %dma_start3A_6 = tpu.memref_slice %arg6[%dma_start3A_5] : memref<6400xi32, #tpu.memory_space<vmem>> -> memref<128xi32, #tpu.memory_space<vmem>>
    %dma_start3A_7 = arith.constant 0 : i32
    %dma_start3A_8 = arith.constant 0 : i32
    %dma_start3A_9 = tpu.memref_slice %arg2[%dma_start3A_7, %dma_start3A_8] : memref<100000x128xf32, #tpu.memory_space<hbm>> -> memref<100000x128xf32, #tpu.memory_space<hbm>>
    tpu.enqueue_indirect_dma source(%dma_start3A_9 : memref<100000x128xf32, #tpu.memory_space<hbm>>) target(%dma_start3A_4 : memref<128x128xf32, #tpu.memory_space<vmem>>) offsets(%dma_start3A_6 : memref<128xi32, #tpu.memory_space<vmem>>) semaphore(%arg10 : memref<!tpu.dma_semaphore, #tpu.memory_space<semaphore_mem>>)
    %dma_start3A_10 = arith.constant 128 : i32
    %dma_start3A_11 = arith.constant 0 : i32
    %dma_start3A_12 = tpu.memref_slice %arg8[%dma_start3A_10, %dma_start3A_11] : memref<200x128xf32, #tpu.memory_space<vmem>> -> memref<72x128xf32, #tpu.memory_space<vmem>>
    %dma_start3A_13 = arith.constant 128 : i32
    %dma_start3A_14 = tpu.memref_slice %arg6[%dma_start3A_13] : memref<6400xi32, #tpu.memory_space<vmem>> -> memref<72xi32, #tpu.memory_space<vmem>>
    %dma_start3A_15 = arith.constant 0 : i32
    %dma_start3A_16 = arith.constant 0 : i32
    %dma_start3A_17 = tpu.memref_slice %arg2[%dma_start3A_15, %dma_start3A_16] : memref<100000x128xf32, #tpu.memory_space<hbm>> -> memref<100000x128xf32, #tpu.memory_space<hbm>>
    tpu.enqueue_indirect_dma source(%dma_start3A_17 : memref<100000x128xf32, #tpu.memory_space<hbm>>) target(%dma_start3A_12 : memref<72x128xf32, #tpu.memory_space<vmem>>) offsets(%dma_start3A_14 : memref<72xi32, #tpu.memory_space<vmem>>) semaphore(%arg10 : memref<!tpu.dma_semaphore, #tpu.memory_space<semaphore_mem>>)
    %dma_start3A_18 = arith.constant 0 : i32
    %dma_start3A_19 = arith.constant 0 : i32
    %dma_start3A_20 = tpu.memref_slice %arg9[%dma_start3A_18, %dma_start3A_19] : memref<200x128xf32, #tpu.memory_space<vmem>> -> memref<128x128xf32, #tpu.memory_space<vmem>>
    %dma_start3A_21 = arith.constant 200 : i32
    %dma_start3A_22 = tpu.memref_slice %arg6[%dma_start3A_21] : memref<6400xi32, #tpu.memory_space<vmem>> -> memref<128xi32, #tpu.memory_space<vmem>>
    %dma_start3A_23 = arith.constant 0 : i32
    %dma_start3A_24 = arith.constant 0 : i32
    %dma_start3A_25 = tpu.memref_slice %arg2[%dma_start3A_23, %dma_start3A_24] : memref<100000x128xf32, #tpu.memory_space<hbm>> -> memref<100000x128xf32, #tpu.memory_space<hbm>>
    tpu.enqueue_indirect_dma source(%dma_start3A_25 : memref<100000x128xf32, #tpu.memory_space<hbm>>) target(%dma_start3A_20 : memref<128x128xf32, #tpu.memory_space<vmem>>) offsets(%dma_start3A_22 : memref<128xi32, #tpu.memory_space<vmem>>) semaphore(%arg11 : memref<!tpu.dma_semaphore, #tpu.memory_space<semaphore_mem>>)
    %dma_start3A_26 = arith.constant 128 : i32
    %dma_start3A_27 = arith.constant 0 : i32
    %dma_start3A_28 = tpu.memref_slice %arg9[%dma_start3A_26, %dma_start3A_27] : memref<200x128xf32, #tpu.memory_space<vmem>> -> memref<72x128xf32, #tpu.memory_space<vmem>>
    %dma_start3A_29 = arith.constant 328 : i32
    %dma_start3A_30 = tpu.memref_slice %arg6[%dma_start3A_29] : memref<6400xi32, #tpu.memory_space<vmem>> -> memref<72xi32, #tpu.memory_space<vmem>>
    %dma_start3A_31 = arith.constant 0 : i32
    %dma_start3A_32 = arith.constant 0 : i32
    %dma_start3A_33 = tpu.memref_slice %arg2[%dma_start3A_31, %dma_start3A_32] : memref<100000x128xf32, #tpu.memory_space<hbm>> -> memref<100000x128xf32, #tpu.memory_space<hbm>>
    tpu.enqueue_indirect_dma source(%dma_start3A_33 : memref<100000x128xf32, #tpu.memory_space<hbm>>) target(%dma_start3A_28 : memref<72x128xf32, #tpu.memory_space<vmem>>) offsets(%dma_start3A_30 : memref<72xi32, #tpu.memory_space<vmem>>) semaphore(%arg11 : memref<!tpu.dma_semaphore, #tpu.memory_space<semaphore_mem>>)
    %dma_wait3A = arith.constant 0 : i32
    %dma_wait3A_34 = arith.constant 0 : i32
    %dma_wait3A_35 = tpu.memref_slice %arg8[%dma_wait3A, %dma_wait3A_34] : memref<200x128xf32, #tpu.memory_space<vmem>> -> memref<128x128xf32, #tpu.memory_space<vmem>>
    %dma_wait3A_36 = arith.constant 0 : i32
    %dma_wait3A_37 = tpu.memref_slice %arg6[%dma_wait3A_36] : memref<6400xi32, #tpu.memory_space<vmem>> -> memref<128xi32, #tpu.memory_space<vmem>>
    %dma_wait3A_38 = arith.constant 0 : i32
    %dma_wait3A_39 = arith.constant 0 : i32
    %dma_wait3A_40 = tpu.memref_slice %arg2[%dma_wait3A_38, %dma_wait3A_39] : memref<100000x128xf32, #tpu.memory_space<hbm>> -> memref<100000x128xf32, #tpu.memory_space<hbm>>
    tpu.wait_indirect_dma semaphore(%arg10 : memref<!tpu.dma_semaphore, #tpu.memory_space<semaphore_mem>>) src(%dma_wait3A_40 : memref<100000x128xf32, #tpu.memory_space<hbm>>) dst(%dma_wait3A_35 : memref<128x128xf32, #tpu.memory_space<vmem>>)
    %dma_wait3A_41 = arith.constant 128 : i32
    %dma_wait3A_42 = arith.constant 0 : i32
    %dma_wait3A_43 = tpu.memref_slice %arg8[%dma_wait3A_41, %dma_wait3A_42] : memref<200x128xf32, #tpu.memory_space<vmem>> -> memref<72x128xf32, #tpu.memory_space<vmem>>
    %dma_wait3A_44 = arith.constant 128 : i32
    %dma_wait3A_45 = tpu.memref_slice %arg6[%dma_wait3A_44] : memref<6400xi32, #tpu.memory_space<vmem>> -> memref<72xi32, #tpu.memory_space<vmem>>
    %dma_wait3A_46 = arith.constant 0 : i32
    %dma_wait3A_47 = arith.constant 0 : i32
    %dma_wait3A_48 = tpu.memref_slice %arg2[%dma_wait3A_46, %dma_wait3A_47] : memref<100000x128xf32, #tpu.memory_space<hbm>> -> memref<100000x128xf32, #tpu.memory_space<hbm>>
    tpu.wait_indirect_dma semaphore(%arg10 : memref<!tpu.dma_semaphore, #tpu.memory_space<semaphore_mem>>) src(%dma_wait3A_48 : memref<100000x128xf32, #tpu.memory_space<hbm>>) dst(%dma_wait3A_43 : memref<72x128xf32, #tpu.memory_space<vmem>>)
    %scan3A = arith.constant 0 : i32
    %scan3A_49 = arith.constant 200 : i32
    %scan3A_50 = arith.addi %scan3A, %scan3A_49 : i32
    %scan3A_51 = arith.constant 1 : i32
    scf.for %scan3A_111 = %scan3A to %scan3A_50 step %scan3A_51  : i32 {
      %mul3A_112 = arith.constant 1 : i32
      %mul3A_113 = arith.muli %scan3A_111, %mul3A_112 : i32
      %add3A_114 = arith.constant 0 : i32
      %add3A_115 = arith.addi %add3A_114, %mul3A_113 : i32
      %get3A = arith.index_cast %add3A_115 : i32 to index
      %get3A_116 = arith.constant 0 : index
      %get3A_117 = tpu.vector_load %arg8[%get3A, %get3A_116] {strides = array<i32>} : memref<200x128xf32, #tpu.memory_space<vmem>>, vector<1x16xf32>,
      %get3A_118 = vector.shape_cast %get3A_117 : vector<1x16xf32> to vector<16xf32>
      %mul3A_119 = arith.constant 11.3137083 : f32
      %mul3A_120 = vector.broadcast %mul3A_119 : f32 to vector<16xf32>
      %mul3A_121 = arith.mulf %get3A_118, %mul3A_120 : vector<16xf32>
      %get3A_122 = arith.index_cast %add3A_115 : i32 to index
      %get3A_123 = arith.constant 0 : index
      %get3A_124 = tpu.vector_load %arg7[%get3A_122, %get3A_123] {strides = array<i32>} : memref<200x128xf32, #tpu.memory_space<vmem>>, vector<1x16xf32>,
      %get3A_125 = vector.shape_cast %get3A_124 : vector<1x16xf32> to vector<16xf32>
      %add3A_126 = arith.addf %mul3A_121, %get3A_125 : vector<16xf32>
      %swap3A = arith.index_cast %add3A_115 : i32 to index
      %swap3A_127 = arith.constant 0 : index
      %swap3A_128 = tpu.vector_load %arg8[%swap3A, %swap3A_127] {strides = array<i32>} : memref<200x128xf32, #tpu.memory_space<vmem>>, vector<1x16xf32>,
      %swap3A_129 = vector.shape_cast %swap3A_128 : vector<1x16xf32> to vector<16xf32>
      %swap3A_130 = vector.shape_cast %add3A_126 : vector<16xf32> to vector<1x16xf32>
      tpu.vector_store %arg8[%swap3A, %swap3A_127], %swap3A_130 {strides = array<i32>} : memref<200x128xf32, #tpu.memory_space<vmem>>, vector<1x16xf32>,
      %get3A_131 = arith.index_cast %add3A_115 : i32 to index
      %get3A_132 = arith.constant 16 : index
      %get3A_133 = tpu.vector_load %arg8[%get3A_131, %get3A_132] {strides = array<i32>} : memref<200x128xf32, #tpu.memory_space<vmem>>, vector<1x16xf32>,
      %get3A_134 = vector.shape_cast %get3A_133 : vector<1x16xf32> to vector<16xf32>
      %mul3A_135 = arith.constant 11.3137083 : f32
      %mul3A_136 = vector.broadcast %mul3A_135 : f32 to vector<16xf32>
      %mul3A_137 = arith.mulf %get3A_134, %mul3A_136 : vector<16xf32>
      %get3A_138 = arith.index_cast %add3A_115 : i32 to index
      %get3A_139 = arith.constant 16 : index
      %get3A_140 = tpu.vector_load %arg7[%get3A_138, %get3A_139] {strides = array<i32>} : memref<200x128xf32, #tpu.memory_space<vmem>>, vector<1x16xf32>,
      %get3A_141 = vector.shape_cast %get3A_140 : vector<1x16xf32> to vector<16xf32>
      %add3A_142 = arith.addf %mul3A_137, %get3A_141 : vector<16xf32>
      %swap3A_143 = arith.index_cast %add3A_115 : i32 to index
      %swap3A_144 = arith.constant 16 : index
      %swap3A_145 = tpu.vector_load %arg8[%swap3A_143, %swap3A_144] {strides = array<i32>} : memref<200x128xf32, #tpu.memory_space<vmem>>, vector<1x16xf32>,
      %swap3A_146 = vector.shape_cast %swap3A_145 : vector<1x16xf32> to vector<16xf32>
      %swap3A_147 = vector.shape_cast %add3A_142 : vector<16xf32> to vector<1x16xf32>
      tpu.vector_store %arg8[%swap3A_143, %swap3A_144], %swap3A_147 {strides = array<i32>} : memref<200x128xf32, #tpu.memory_space<vmem>>, vector<1x16xf32>,
      %get3A_148 = arith.index_cast %add3A_115 : i32 to index
      %get3A_149 = arith.constant 32 : index
      %get3A_150 = tpu.vector_load %arg8[%get3A_148, %get3A_149] {strides = array<i32>} : memref<200x128xf32, #tpu.memory_space<vmem>>, vector<1x16xf32>,
      %get3A_151 = vector.shape_cast %get3A_150 : vector<1x16xf32> to vector<16xf32>
      %mul3A_152 = arith.constant 11.3137083 : f32
      %mul3A_153 = vector.broadcast %mul3A_152 : f32 to vector<16xf32>
      %mul3A_154 = arith.mulf %get3A_151, %mul3A_153 : vector<16xf32>
      %get3A_155 = arith.index_cast %add3A_115 : i32 to index
      %get3A_156 = arith.constant 32 : index
      %get3A_157 = tpu.vector_load %arg7[%get3A_155, %get3A_156] {strides = array<i32>} : memref<200x128xf32, #tpu.memory_space<vmem>>, vector<1x16xf32>,
      %get3A_158 = vector.shape_cast %get3A_157 : vector<1x16xf32> to vector<16xf32>
      %add3A_159 = arith.addf %mul3A_154, %get3A_158 : vector<16xf32>
      %swap3A_160 = arith.index_cast %add3A_115 : i32 to index
      %swap3A_161 = arith.constant 32 : index
      %swap3A_162 = tpu.vector_load %arg8[%swap3A_160, %swap3A_161] {strides = array<i32>} : memref<200x128xf32, #tpu.memory_space<vmem>>, vector<1x16xf32>,
      %swap3A_163 = vector.shape_cast %swap3A_162 : vector<1x16xf32> to vector<16xf32>
      %swap3A_164 = vector.shape_cast %add3A_159 : vector<16xf32> to vector<1x16xf32>
      tpu.vector_store %arg8[%swap3A_160, %swap3A_161], %swap3A_164 {strides = array<i32>} : memref<200x128xf32, #tpu.memory_space<vmem>>, vector<1x16xf32>,
      %get3A_165 = arith.index_cast %add3A_115 : i32 to index
      %get3A_166 = arith.constant 48 : index
      %get3A_167 = tpu.vector_load %arg8[%get3A_165, %get3A_166] {strides = array<i32>} : memref<200x128xf32, #tpu.memory_space<vmem>>, vector<1x16xf32>,
      %get3A_168 = vector.shape_cast %get3A_167 : vector<1x16xf32> to vector<16xf32>
      %mul3A_169 = arith.constant 11.3137083 : f32
      %mul3A_170 = vector.broadcast %mul3A_169 : f32 to vector<16xf32>
      %mul3A_171 = arith.mulf %get3A_168, %mul3A_170 : vector<16xf32>
      %get3A_172 = arith.index_cast %add3A_115 : i32 to index
      %get3A_173 = arith.constant 48 : index
      %get3A_174 = tpu.vector_load %arg7[%get3A_172, %get3A_173] {strides = array<i32>} : memref<200x128xf32, #tpu.memory_space<vmem>>, vector<1x16xf32>,
      %get3A_175 = vector.shape_cast %get3A_174 : vector<1x16xf32> to vector<16xf32>
      %add3A_176 = arith.addf %mul3A_171, %get3A_175 : vector<16xf32>
      %swap3A_177 = arith.index_cast %add3A_115 : i32 to index
      %swap3A_178 = arith.constant 48 : index
      %swap3A_179 = tpu.vector_load %arg8[%swap3A_177, %swap3A_178] {strides = array<i32>} : memref<200x128xf32, #tpu.memory_space<vmem>>, vector<1x16xf32>,
      %swap3A_180 = vector.shape_cast %swap3A_179 : vector<1x16xf32> to vector<16xf32>
      %swap3A_181 = vector.shape_cast %add3A_176 : vector<16xf32> to vector<1x16xf32>
      tpu.vector_store %arg8[%swap3A_177, %swap3A_178], %swap3A_181 {strides = array<i32>} : memref<200x128xf32, #tpu.memory_space<vmem>>, vector<1x16xf32>,
      %get3A_182 = arith.index_cast %add3A_115 : i32 to index
      %get3A_183 = arith.constant 64 : index
      %get3A_184 = tpu.vector_load %arg8[%get3A_182, %get3A_183] {strides = array<i32>} : memref<200x128xf32, #tpu.memory_space<vmem>>, vector<1x16xf32>,
      %get3A_185 = vector.shape_cast %get3A_184 : vector<1x16xf32> to vector<16xf32>
      %mul3A_186 = arith.constant 11.3137083 : f32
      %mul3A_187 = vector.broadcast %mul3A_186 : f32 to vector<16xf32>
      %mul3A_188 = arith.mulf %get3A_185, %mul3A_187 : vector<16xf32>
      %get3A_189 = arith.index_cast %add3A_115 : i32 to index
      %get3A_190 = arith.constant 64 : index
      %get3A_191 = tpu.vector_load %arg7[%get3A_189, %get3A_190] {strides = array<i32>} : memref<200x128xf32, #tpu.memory_space<vmem>>, vector<1x16xf32>,
      %get3A_192 = vector.shape_cast %get3A_191 : vector<1x16xf32> to vector<16xf32>
      %add3A_193 = arith.addf %mul3A_188, %get3A_192 : vector<16xf32>
      %swap3A_194 = arith.index_cast %add3A_115 : i32 to index
      %swap3A_195 = arith.constant 64 : index
      %swap3A_196 = tpu.vector_load %arg8[%swap3A_194, %swap3A_195] {strides = array<i32>} : memref<200x128xf32, #tpu.memory_space<vmem>>, vector<1x16xf32>,
      %swap3A_197 = vector.shape_cast %swap3A_196 : vector<1x16xf32> to vector<16xf32>
      %swap3A_198 = vector.shape_cast %add3A_193 : vector<16xf32> to vector<1x16xf32>
      tpu.vector_store %arg8[%swap3A_194, %swap3A_195], %swap3A_198 {strides = array<i32>} : memref<200x128xf32, #tpu.memory_space<vmem>>, vector<1x16xf32>,
      %get3A_199 = arith.index_cast %add3A_115 : i32 to index
      %get3A_200 = arith.constant 80 : index
      %get3A_201 = tpu.vector_load %arg8[%get3A_199, %get3A_200] {strides = array<i32>} : memref<200x128xf32, #tpu.memory_space<vmem>>, vector<1x16xf32>,
      %get3A_202 = vector.shape_cast %get3A_201 : vector<1x16xf32> to vector<16xf32>
      %mul3A_203 = arith.constant 11.3137083 : f32
      %mul3A_204 = vector.broadcast %mul3A_203 : f32 to vector<16xf32>
      %mul3A_205 = arith.mulf %get3A_202, %mul3A_204 : vector<16xf32>
      %get3A_206 = arith.index_cast %add3A_115 : i32 to index
      %get3A_207 = arith.constant 80 : index
      %get3A_208 = tpu.vector_load %arg7[%get3A_206, %get3A_207] {strides = array<i32>} : memref<200x128xf32, #tpu.memory_space<vmem>>, vector<1x16xf32>,
      %get3A_209 = vector.shape_cast %get3A_208 : vector<1x16xf32> to vector<16xf32>
      %add3A_210 = arith.addf %mul3A_205, %get3A_209 : vector<16xf32>
      %swap3A_211 = arith.index_cast %add3A_115 : i32 to index
      %swap3A_212 = arith.constant 80 : index
      %swap3A_213 = tpu.vector_load %arg8[%swap3A_211, %swap3A_212] {strides = array<i32>} : memref<200x128xf32, #tpu.memory_space<vmem>>, vector<1x16xf32>,
      %swap3A_214 = vector.shape_cast %swap3A_213 : vector<1x16xf32> to vector<16xf32>
      %swap3A_215 = vector.shape_cast %add3A_210 : vector<16xf32> to vector<1x16xf32>
      tpu.vector_store %arg8[%swap3A_211, %swap3A_212], %swap3A_215 {strides = array<i32>} : memref<200x128xf32, #tpu.memory_space<vmem>>, vector<1x16xf32>,
      %get3A_216 = arith.index_cast %add3A_115 : i32 to index
      %get3A_217 = arith.constant 96 : index
      %get3A_218 = tpu.vector_load %arg8[%get3A_216, %get3A_217] {strides = array<i32>} : memref<200x128xf32, #tpu.memory_space<vmem>>, vector<1x16xf32>,
      %get3A_219 = vector.shape_cast %get3A_218 : vector<1x16xf32> to vector<16xf32>
      %mul3A_220 = arith.constant 11.3137083 : f32
      %mul3A_221 = vector.broadcast %mul3A_220 : f32 to vector<16xf32>
      %mul3A_222 = arith.mulf %get3A_219, %mul3A_221 : vector<16xf32>
      %get3A_223 = arith.index_cast %add3A_115 : i32 to index
      %get3A_224 = arith.constant 96 : index
      %get3A_225 = tpu.vector_load %arg7[%get3A_223, %get3A_224] {strides = array<i32>} : memref<200x128xf32, #tpu.memory_space<vmem>>, vector<1x16xf32>,
      %get3A_226 = vector.shape_cast %get3A_225 : vector<1x16xf32> to vector<16xf32>
      %add3A_227 = arith.addf %mul3A_222, %get3A_226 : vector<16xf32>
      %swap3A_228 = arith.index_cast %add3A_115 : i32 to index
      %swap3A_229 = arith.constant 96 : index
      %swap3A_230 = tpu.vector_load %arg8[%swap3A_228, %swap3A_229] {strides = array<i32>} : memref<200x128xf32, #tpu.memory_space<vmem>>, vector<1x16xf32>,
      %swap3A_231 = vector.shape_cast %swap3A_230 : vector<1x16xf32> to vector<16xf32>
      %swap3A_232 = vector.shape_cast %add3A_227 : vector<16xf32> to vector<1x16xf32>
      tpu.vector_store %arg8[%swap3A_228, %swap3A_229], %swap3A_232 {strides = array<i32>} : memref<200x128xf32, #tpu.memory_space<vmem>>, vector<1x16xf32>,
      %get3A_233 = arith.index_cast %add3A_115 : i32 to index
      %get3A_234 = arith.constant 112 : index
      %get3A_235 = tpu.vector_load %arg8[%get3A_233, %get3A_234] {strides = array<i32>} : memref<200x128xf32, #tpu.memory_space<vmem>>, vector<1x16xf32>,
      %get3A_236 = vector.shape_cast %get3A_235 : vector<1x16xf32> to vector<16xf32>
      %mul3A_237 = arith.constant 11.3137083 : f32
      %mul3A_238 = vector.broadcast %mul3A_237 : f32 to vector<16xf32>
      %mul3A_239 = arith.mulf %get3A_236, %mul3A_238 : vector<16xf32>
      %get3A_240 = arith.index_cast %add3A_115 : i32 to index
      %get3A_241 = arith.constant 112 : index
      %get3A_242 = tpu.vector_load %arg7[%get3A_240, %get3A_241] {strides = array<i32>} : memref<200x128xf32, #tpu.memory_space<vmem>>, vector<1x16xf32>,
      %get3A_243 = vector.shape_cast %get3A_242 : vector<1x16xf32> to vector<16xf32>
      %add3A_244 = arith.addf %mul3A_239, %get3A_243 : vector<16xf32>
      %swap3A_245 = arith.index_cast %add3A_115 : i32 to index
      %swap3A_246 = arith.constant 112 : index
      %swap3A_247 = tpu.vector_load %arg8[%swap3A_245, %swap3A_246] {strides = array<i32>} : memref<200x128xf32, #tpu.memory_space<vmem>>, vector<1x16xf32>,
      %swap3A_248 = vector.shape_cast %swap3A_247 : vector<1x16xf32> to vector<16xf32>
      %swap3A_249 = vector.shape_cast %add3A_244 : vector<16xf32> to vector<1x16xf32>
      tpu.vector_store %arg8[%swap3A_245, %swap3A_246], %swap3A_249 {strides = array<i32>} : memref<200x128xf32, #tpu.memory_space<vmem>>, vector<1x16xf32>,
    }
    %scan3A_52 = arith.constant 200 : i32
    %mul3A_53 = arith.constant 32 : i32
    %mul3A_54 = arith.muli %add3A, %mul3A_53 : i32
    %add3A_55 = arith.constant 0 : i32
    %add3A_56 = arith.addi %mul3A_54, %add3A_55 : i32
    %mul3A_57 = arith.constant 200 : i32
    %mul3A_58 = arith.muli %add3A_56, %mul3A_57 : i32
    %dma_start3A_59 = arith.constant 0 : i32
    %dma_start3A_60 = tpu.memref_slice %arg5[%mul3A_58, %dma_start3A_59] : memref<204800x128xf32, #tpu.memory_space<hbm>> -> memref<200x128xf32, #tpu.memory_space<hbm>>
    %dma_start3A_61 = arith.constant 0 : i32
    %dma_start3A_62 = tpu.memref_slice %arg5[%mul3A_58, %dma_start3A_61] : memref<204800x128xf32, #tpu.memory_space<hbm>> -> memref<200x128xf32, #tpu.memory_space<hbm>>
    tpu.enqueue_dma source(%arg8 : memref<200x128xf32, #tpu.memory_space<vmem>>) target(%dma_start3A_62 : memref<200x128xf32, #tpu.memory_space<hbm>>) target_semaphore(%arg12 : memref<!tpu.dma_semaphore, #tpu.memory_space<semaphore_mem>>)
    %scan3A_63 = arith.constant 0 : i32
    %scan3A_64 = arith.constant 15 : i32
    %scan3A_65 = arith.addi %scan3A_63, %scan3A_64 : i32
    %scan3A_66 = arith.constant 1 : i32
    scf.for %scan3A_111 = %scan3A_63 to %scan3A_65 step %scan3A_66  : i32 {
      %mul3A_112 = arith.constant 1 : i32
      %mul3A_113 = arith.muli %scan3A_111, %mul3A_112 : i32
      %add3A_114 = arith.constant 0 : i32
      %add3A_115 = arith.addi %add3A_114, %mul3A_113 : i32
      %mul3A_116 = arith.constant 2 : i32
      %mul3A_117 = arith.muli %mul3A_116, %add3A_115 : i32
      %add3A_118 = arith.constant 1 : i32
      %add3A_119 = arith.addi %mul3A_117, %add3A_118 : i32
      %add3A_120 = arith.constant 1 : i32
      %add3A_121 = arith.addi %add3A_119, %add3A_120 : i32
      %lt3A = arith.constant 32 : i32
      %lt3A_122 = arith.cmpi slt, %add3A_121, %lt3A : i32
      %convert_element_type3A = arith.extui %lt3A_122 : i1 to i32
      %cond3A = arith.constant 0 : i32
      %cond3A_123 = arith.cmpi ne, %convert_element_type3A, %cond3A : i32
      scf.if %cond3A_123 {
        %dma_wait3A_207 = arith.constant 0 : i32
        %dma_wait3A_208 = arith.constant 0 : i32
        %dma_wait3A_209 = tpu.memref_slice %arg5[%dma_wait3A_207, %dma_wait3A_208] : memref<204800x128xf32, #tpu.memory_space<hbm>> -> memref<200x128xf32, #tpu.memory_space<hbm>>
        %dma_wait3A_210 = arith.constant 0 : i32
        %dma_wait3A_211 = arith.constant 0 : i32
        %dma_wait3A_212 = tpu.memref_slice %arg5[%dma_wait3A_210, %dma_wait3A_211] : memref<204800x128xf32, #tpu.memory_space<hbm>> -> memref<200x128xf32, #tpu.memory_space<hbm>>
        tpu.wait_dma2 semaphore(%arg12 : memref<!tpu.dma_semaphore, #tpu.memory_space<semaphore_mem>>) src(%arg8 : memref<200x128xf32, #tpu.memory_space<vmem>>) dst(%dma_wait3A_212 : memref<200x128xf32, #tpu.memory_space<hbm>>)
        %add3A_213 = arith.constant 1 : i32
        %add3A_214 = arith.addi %add3A_119, %add3A_213 : i32
        %mul3A_215 = arith.constant 200 : i32
        %mul3A_216 = arith.muli %add3A_214, %mul3A_215 : i32
        %add3A_217 = arith.constant 0 : i32
        %add3A_218 = arith.addi %mul3A_216, %add3A_217 : i32
        %dma_start3A_219 = arith.constant 0 : i32
        %dma_start3A_220 = arith.constant 0 : i32
        %dma_start3A_221 = tpu.memref_slice %arg8[%dma_start3A_219, %dma_start3A_220] : memref<200x128xf32, #tpu.memory_space<vmem>> -> memref<128x128xf32, #tpu.memory_space<vmem>>
        %dma_start3A_222 = tpu.memref_slice %arg6[%add3A_218] : memref<6400xi32, #tpu.memory_space<vmem>> -> memref<128xi32, #tpu.memory_space<vmem>>
        %dma_start3A_223 = arith.constant 0 : i32
        %dma_start3A_224 = arith.constant 0 : i32
        %dma_start3A_225 = tpu.memref_slice %arg2[%dma_start3A_223, %dma_start3A_224] : memref<100000x128xf32, #tpu.memory_space<hbm>> -> memref<100000x128xf32, #tpu.memory_space<hbm>>
        tpu.enqueue_indirect_dma source(%dma_start3A_225 : memref<100000x128xf32, #tpu.memory_space<hbm>>) target(%dma_start3A_221 : memref<128x128xf32, #tpu.memory_space<vmem>>) offsets(%dma_start3A_222 : memref<128xi32, #tpu.memory_space<vmem>>) semaphore(%arg10 : memref<!tpu.dma_semaphore, #tpu.memory_space<semaphore_mem>>)
        %mul3A_226 = arith.constant 200 : i32
        %mul3A_227 = arith.muli %add3A_214, %mul3A_226 : i32
        %add3A_228 = arith.constant 128 : i32
        %add3A_229 = arith.addi %mul3A_227, %add3A_228 : i32
        %dma_start3A_230 = arith.constant 128 : i32
        %dma_start3A_231 = arith.constant 0 : i32
        %dma_start3A_232 = tpu.memref_slice %arg8[%dma_start3A_230, %dma_start3A_231] : memref<200x128xf32, #tpu.memory_space<vmem>> -> memref<72x128xf32, #tpu.memory_space<vmem>>
        %dma_start3A_233 = tpu.memref_slice %arg6[%add3A_229] : memref<6400xi32, #tpu.memory_space<vmem>> -> memref<72xi32, #tpu.memory_space<vmem>>
        %dma_start3A_234 = arith.constant 0 : i32
        %dma_start3A_235 = arith.constant 0 : i32
        %dma_start3A_236 = tpu.memref_slice %arg2[%dma_start3A_234, %dma_start3A_235] : memref<100000x128xf32, #tpu.memory_space<hbm>> -> memref<100000x128xf32, #tpu.memory_space<hbm>>
        tpu.enqueue_indirect_dma source(%dma_start3A_236 : memref<100000x128xf32, #tpu.memory_space<hbm>>) target(%dma_start3A_232 : memref<72x128xf32, #tpu.memory_space<vmem>>) offsets(%dma_start3A_233 : memref<72xi32, #tpu.memory_space<vmem>>) semaphore(%arg10 : memref<!tpu.dma_semaphore, #tpu.memory_space<semaphore_mem>>)
      } else {
      }
      %mul3A_124 = arith.constant 200 : i32
      %mul3A_125 = arith.muli %add3A_119, %mul3A_124 : i32
      %add3A_126 = arith.constant 0 : i32
      %add3A_127 = arith.addi %mul3A_125, %add3A_126 : i32
      %dma_wait3A_128 = arith.constant 0 : i32
      %dma_wait3A_129 = arith.constant 0 : i32
      %dma_wait3A_130 = tpu.memref_slice %arg9[%dma_wait3A_128, %dma_wait3A_129] : memref<200x128xf32, #tpu.memory_space<vmem>> -> memref<128x128xf32, #tpu.memory_space<vmem>>
      %dma_wait3A_131 = tpu.memref_slice %arg6[%add3A_127] : memref<6400xi32, #tpu.memory_space<vmem>> -> memref<128xi32, #tpu.memory_space<vmem>>
      %dma_wait3A_132 = arith.constant 0 : i32
      %dma_wait3A_133 = arith.constant 0 : i32
      %dma_wait3A_134 = tpu.memref_slice %arg2[%dma_wait3A_132, %dma_wait3A_133] : memref<100000x128xf32, #tpu.memory_space<hbm>> -> memref<100000x128xf32, #tpu.memory_space<hbm>>
      tpu.wait_indirect_dma semaphore(%arg11 : memref<!tpu.dma_semaphore, #tpu.memory_space<semaphore_mem>>) src(%dma_wait3A_134 : memref<100000x128xf32, #tpu.memory_space<hbm>>) dst(%dma_wait3A_130 : memref<128x128xf32, #tpu.memory_space<vmem>>)
      %mul3A_135 = arith.constant 200 : i32
      %mul3A_136 = arith.muli %add3A_119, %mul3A_135 : i32
      %add3A_137 = arith.constant 128 : i32
      %add3A_138 = arith.addi %mul3A_136, %add3A_137 : i32
      %dma_wait3A_139 = arith.constant 128 : i32
      %dma_wait3A_140 = arith.constant 0 : i32
      %dma_wait3A_141 = tpu.memref_slice %arg9[%dma_wait3A_139, %dma_wait3A_140] : memref<200x128xf32, #tpu.memory_space<vmem>> -> memref<72x128xf32, #tpu.memory_space<vmem>>
      %dma_wait3A_142 = tpu.memref_slice %arg6[%add3A_138] : memref<6400xi32, #tpu.memory_space<vmem>> -> memref<72xi32, #tpu.memory_space<vmem>>
      %dma_wait3A_143 = arith.constant 0 : i32
      %dma_wait3A_144 = arith.constant 0 : i32
      %dma_wait3A_145 = tpu.memref_slice %arg2[%dma_wait3A_143, %dma_wait3A_144] : memref<100000x128xf32, #tpu.memory_space<hbm>> -> memref<100000x128xf32, #tpu.memory_space<hbm>>
      tpu.wait_indirect_dma semaphore(%arg11 : memref<!tpu.dma_semaphore, #tpu.memory_space<semaphore_mem>>) src(%dma_wait3A_145 : memref<100000x128xf32, #tpu.memory_space<hbm>>) dst(%dma_wait3A_141 : memref<72x128xf32, #tpu.memory_space<vmem>>)
      %scan3A_146 = arith.constant 0 : i32
      %scan3A_147 = arith.constant 200 : i32
      %scan3A_148 = arith.addi %scan3A_146, %scan3A_147 : i32
      %scan3A_149 = arith.constant 1 : i32
      scf.for %scan3A_207 = %scan3A_146 to %scan3A_148 step %scan3A_149  : i32 {
        %mul3A_208 = arith.constant 1 : i32
        %mul3A_209 = arith.muli %scan3A_207, %mul3A_208 : i32
        %add3A_210 = arith.constant 0 : i32
        %add3A_211 = arith.addi %add3A_210, %mul3A_209 : i32
        %get3A = arith.index_cast %add3A_211 : i32 to index
        %get3A_212 = arith.constant 0 : index
        %get3A_213 = tpu.vector_load %arg9[%get3A, %get3A_212] {strides = array<i32>} : memref<200x128xf32, #tpu.memory_space<vmem>>, vector<1x16xf32>,
        %get3A_214 = vector.shape_cast %get3A_213 : vector<1x16xf32> to vector<16xf32>
        %mul3A_215 = arith.constant 11.3137083 : f32
        %mul3A_216 = vector.broadcast %mul3A_215 : f32 to vector<16xf32>
        %mul3A_217 = arith.mulf %get3A_214, %mul3A_216 : vector<16xf32>
        %get3A_218 = arith.index_cast %add3A_211 : i32 to index
        %get3A_219 = arith.constant 0 : index
        %get3A_220 = tpu.vector_load %arg7[%get3A_218, %get3A_219] {strides = array<i32>} : memref<200x128xf32, #tpu.memory_space<vmem>>, vector<1x16xf32>,
        %get3A_221 = vector.shape_cast %get3A_220 : vector<1x16xf32> to vector<16xf32>
        %add3A_222 = arith.addf %mul3A_217, %get3A_221 : vector<16xf32>
        %swap3A = arith.index_cast %add3A_211 : i32 to index
        %swap3A_223 = arith.constant 0 : index
        %swap3A_224 = tpu.vector_load %arg9[%swap3A, %swap3A_223] {strides = array<i32>} : memref<200x128xf32, #tpu.memory_space<vmem>>, vector<1x16xf32>,
        %swap3A_225 = vector.shape_cast %swap3A_224 : vector<1x16xf32> to vector<16xf32>
        %swap3A_226 = vector.shape_cast %add3A_222 : vector<16xf32> to vector<1x16xf32>
        tpu.vector_store %arg9[%swap3A, %swap3A_223], %swap3A_226 {strides = array<i32>} : memref<200x128xf32, #tpu.memory_space<vmem>>, vector<1x16xf32>,
        %get3A_227 = arith.index_cast %add3A_211 : i32 to index
        %get3A_228 = arith.constant 16 : index
        %get3A_229 = tpu.vector_load %arg9[%get3A_227, %get3A_228] {strides = array<i32>} : memref<200x128xf32, #tpu.memory_space<vmem>>, vector<1x16xf32>,
        %get3A_230 = vector.shape_cast %get3A_229 : vector<1x16xf32> to vector<16xf32>
        %mul3A_231 = arith.constant 11.3137083 : f32
        %mul3A_232 = vector.broadcast %mul3A_231 : f32 to vector<16xf32>
        %mul3A_233 = arith.mulf %get3A_230, %mul3A_232 : vector<16xf32>
        %get3A_234 = arith.index_cast %add3A_211 : i32 to index
        %get3A_235 = arith.constant 16 : index
        %get3A_236 = tpu.vector_load %arg7[%get3A_234, %get3A_235] {strides = array<i32>} : memref<200x128xf32, #tpu.memory_space<vmem>>, vector<1x16xf32>,
        %get3A_237 = vector.shape_cast %get3A_236 : vector<1x16xf32> to vector<16xf32>
        %add3A_238 = arith.addf %mul3A_233, %get3A_237 : vector<16xf32>
        %swap3A_239 = arith.index_cast %add3A_211 : i32 to index
        %swap3A_240 = arith.constant 16 : index
        %swap3A_241 = tpu.vector_load %arg9[%swap3A_239, %swap3A_240] {strides = array<i32>} : memref<200x128xf32, #tpu.memory_space<vmem>>, vector<1x16xf32>,
        %swap3A_242 = vector.shape_cast %swap3A_241 : vector<1x16xf32> to vector<16xf32>
        %swap3A_243 = vector.shape_cast %add3A_238 : vector<16xf32> to vector<1x16xf32>
        tpu.vector_store %arg9[%swap3A_239, %swap3A_240], %swap3A_243 {strides = array<i32>} : memref<200x128xf32, #tpu.memory_space<vmem>>, vector<1x16xf32>,
        %get3A_244 = arith.index_cast %add3A_211 : i32 to index
        %get3A_245 = arith.constant 32 : index
        %get3A_246 = tpu.vector_load %arg9[%get3A_244, %get3A_245] {strides = array<i32>} : memref<200x128xf32, #tpu.memory_space<vmem>>, vector<1x16xf32>,
        %get3A_247 = vector.shape_cast %get3A_246 : vector<1x16xf32> to vector<16xf32>
        %mul3A_248 = arith.constant 11.3137083 : f32
        %mul3A_249 = vector.broadcast %mul3A_248 : f32 to vector<16xf32>
        %mul3A_250 = arith.mulf %get3A_247, %mul3A_249 : vector<16xf32>
        %get3A_251 = arith.index_cast %add3A_211 : i32 to index
        %get3A_252 = arith.constant 32 : index
        %get3A_253 = tpu.vector_load %arg7[%get3A_251, %get3A_252] {strides = array<i32>} : memref<200x128xf32, #tpu.memory_space<vmem>>, vector<1x16xf32>,
        %get3A_254 = vector.shape_cast %get3A_253 : vector<1x16xf32> to vector<16xf32>
        %add3A_255 = arith.addf %mul3A_250, %get3A_254 : vector<16xf32>
        %swap3A_256 = arith.index_cast %add3A_211 : i32 to index
        %swap3A_257 = arith.constant 32 : index
        %swap3A_258 = tpu.vector_load %arg9[%swap3A_256, %swap3A_257] {strides = array<i32>} : memref<200x128xf32, #tpu.memory_space<vmem>>, vector<1x16xf32>,
        %swap3A_259 = vector.shape_cast %swap3A_258 : vector<1x16xf32> to vector<16xf32>
        %swap3A_260 = vector.shape_cast %add3A_255 : vector<16xf32> to vector<1x16xf32>
        tpu.vector_store %arg9[%swap3A_256, %swap3A_257], %swap3A_260 {strides = array<i32>} : memref<200x128xf32, #tpu.memory_space<vmem>>, vector<1x16xf32>,
        %get3A_261 = arith.index_cast %add3A_211 : i32 to index
        %get3A_262 = arith.constant 48 : index
        %get3A_263 = tpu.vector_load %arg9[%get3A_261, %get3A_262] {strides = array<i32>} : memref<200x128xf32, #tpu.memory_space<vmem>>, vector<1x16xf32>,
        %get3A_264 = vector.shape_cast %get3A_263 : vector<1x16xf32> to vector<16xf32>
        %mul3A_265 = arith.constant 11.3137083 : f32
        %mul3A_266 = vector.broadcast %mul3A_265 : f32 to vector<16xf32>
        %mul3A_267 = arith.mulf %get3A_264, %mul3A_266 : vector<16xf32>
        %get3A_268 = arith.index_cast %add3A_211 : i32 to index
        %get3A_269 = arith.constant 48 : index
        %get3A_270 = tpu.vector_load %arg7[%get3A_268, %get3A_269] {strides = array<i32>} : memref<200x128xf32, #tpu.memory_space<vmem>>, vector<1x16xf32>,
        %get3A_271 = vector.shape_cast %get3A_270 : vector<1x16xf32> to vector<16xf32>
        %add3A_272 = arith.addf %mul3A_267, %get3A_271 : vector<16xf32>
        %swap3A_273 = arith.index_cast %add3A_211 : i32 to index
        %swap3A_274 = arith.constant 48 : index
        %swap3A_275 = tpu.vector_load %arg9[%swap3A_273, %swap3A_274] {strides = array<i32>} : memref<200x128xf32, #tpu.memory_space<vmem>>, vector<1x16xf32>,
        %swap3A_276 = vector.shape_cast %swap3A_275 : vector<1x16xf32> to vector<16xf32>
        %swap3A_277 = vector.shape_cast %add3A_272 : vector<16xf32> to vector<1x16xf32>
        tpu.vector_store %arg9[%swap3A_273, %swap3A_274], %swap3A_277 {strides = array<i32>} : memref<200x128xf32, #tpu.memory_space<vmem>>, vector<1x16xf32>,
        %get3A_278 = arith.index_cast %add3A_211 : i32 to index
        %get3A_279 = arith.constant 64 : index
        %get3A_280 = tpu.vector_load %arg9[%get3A_278, %get3A_279] {strides = array<i32>} : memref<200x128xf32, #tpu.memory_space<vmem>>, vector<1x16xf32>,
        %get3A_281 = vector.shape_cast %get3A_280 : vector<1x16xf32> to vector<16xf32>
        %mul3A_282 = arith.constant 11.3137083 : f32
        %mul3A_283 = vector.broadcast %mul3A_282 : f32 to vector<16xf32>
        %mul3A_284 = arith.mulf %get3A_281, %mul3A_283 : vector<16xf32>
        %get3A_285 = arith.index_cast %add3A_211 : i32 to index
        %get3A_286 = arith.constant 64 : index
        %get3A_287 = tpu.vector_load %arg7[%get3A_285, %get3A_286] {strides = array<i32>} : memref<200x128xf32, #tpu.memory_space<vmem>>, vector<1x16xf32>,
        %get3A_288 = vector.shape_cast %get3A_287 : vector<1x16xf32> to vector<16xf32>
        %add3A_289 = arith.addf %mul3A_284, %get3A_288 : vector<16xf32>
        %swap3A_290 = arith.index_cast %add3A_211 : i32 to index
        %swap3A_291 = arith.constant 64 : index
        %swap3A_292 = tpu.vector_load %arg9[%swap3A_290, %swap3A_291] {strides = array<i32>} : memref<200x128xf32, #tpu.memory_space<vmem>>, vector<1x16xf32>,
        %swap3A_293 = vector.shape_cast %swap3A_292 : vector<1x16xf32> to vector<16xf32>
        %swap3A_294 = vector.shape_cast %add3A_289 : vector<16xf32> to vector<1x16xf32>
        tpu.vector_store %arg9[%swap3A_290, %swap3A_291], %swap3A_294 {strides = array<i32>} : memref<200x128xf32, #tpu.memory_space<vmem>>, vector<1x16xf32>,
        %get3A_295 = arith.index_cast %add3A_211 : i32 to index
        %get3A_296 = arith.constant 80 : index
        %get3A_297 = tpu.vector_load %arg9[%get3A_295, %get3A_296] {strides = array<i32>} : memref<200x128xf32, #tpu.memory_space<vmem>>, vector<1x16xf32>,
        %get3A_298 = vector.shape_cast %get3A_297 : vector<1x16xf32> to vector<16xf32>
        %mul3A_299 = arith.constant 11.3137083 : f32
        %mul3A_300 = vector.broadcast %mul3A_299 : f32 to vector<16xf32>
        %mul3A_301 = arith.mulf %get3A_298, %mul3A_300 : vector<16xf32>
        %get3A_302 = arith.index_cast %add3A_211 : i32 to index
        %get3A_303 = arith.constant 80 : index
        %get3A_304 = tpu.vector_load %arg7[%get3A_302, %get3A_303] {strides = array<i32>} : memref<200x128xf32, #tpu.memory_space<vmem>>, vector<1x16xf32>,
        %get3A_305 = vector.shape_cast %get3A_304 : vector<1x16xf32> to vector<16xf32>
        %add3A_306 = arith.addf %mul3A_301, %get3A_305 : vector<16xf32>
        %swap3A_307 = arith.index_cast %add3A_211 : i32 to index
        %swap3A_308 = arith.constant 80 : index
        %swap3A_309 = tpu.vector_load %arg9[%swap3A_307, %swap3A_308] {strides = array<i32>} : memref<200x128xf32, #tpu.memory_space<vmem>>, vector<1x16xf32>,
        %swap3A_310 = vector.shape_cast %swap3A_309 : vector<1x16xf32> to vector<16xf32>
        %swap3A_311 = vector.shape_cast %add3A_306 : vector<16xf32> to vector<1x16xf32>
        tpu.vector_store %arg9[%swap3A_307, %swap3A_308], %swap3A_311 {strides = array<i32>} : memref<200x128xf32, #tpu.memory_space<vmem>>, vector<1x16xf32>,
        %get3A_312 = arith.index_cast %add3A_211 : i32 to index
        %get3A_313 = arith.constant 96 : index
        %get3A_314 = tpu.vector_load %arg9[%get3A_312, %get3A_313] {strides = array<i32>} : memref<200x128xf32, #tpu.memory_space<vmem>>, vector<1x16xf32>,
        %get3A_315 = vector.shape_cast %get3A_314 : vector<1x16xf32> to vector<16xf32>
        %mul3A_316 = arith.constant 11.3137083 : f32
        %mul3A_317 = vector.broadcast %mul3A_316 : f32 to vector<16xf32>
        %mul3A_318 = arith.mulf %get3A_315, %mul3A_317 : vector<16xf32>
        %get3A_319 = arith.index_cast %add3A_211 : i32 to index
        %get3A_320 = arith.constant 96 : index
        %get3A_321 = tpu.vector_load %arg7[%get3A_319, %get3A_320] {strides = array<i32>} : memref<200x128xf32, #tpu.memory_space<vmem>>, vector<1x16xf32>,
        %get3A_322 = vector.shape_cast %get3A_321 : vector<1x16xf32> to vector<16xf32>
        %add3A_323 = arith.addf %mul3A_318, %get3A_322 : vector<16xf32>
        %swap3A_324 = arith.index_cast %add3A_211 : i32 to index
        %swap3A_325 = arith.constant 96 : index
        %swap3A_326 = tpu.vector_load %arg9[%swap3A_324, %swap3A_325] {strides = array<i32>} : memref<200x128xf32, #tpu.memory_space<vmem>>, vector<1x16xf32>,
        %swap3A_327 = vector.shape_cast %swap3A_326 : vector<1x16xf32> to vector<16xf32>
        %swap3A_328 = vector.shape_cast %add3A_323 : vector<16xf32> to vector<1x16xf32>
        tpu.vector_store %arg9[%swap3A_324, %swap3A_325], %swap3A_328 {strides = array<i32>} : memref<200x128xf32, #tpu.memory_space<vmem>>, vector<1x16xf32>,
        %get3A_329 = arith.index_cast %add3A_211 : i32 to index
        %get3A_330 = arith.constant 112 : index
        %get3A_331 = tpu.vector_load %arg9[%get3A_329, %get3A_330] {strides = array<i32>} : memref<200x128xf32, #tpu.memory_space<vmem>>, vector<1x16xf32>,
        %get3A_332 = vector.shape_cast %get3A_331 : vector<1x16xf32> to vector<16xf32>
        %mul3A_333 = arith.constant 11.3137083 : f32
        %mul3A_334 = vector.broadcast %mul3A_333 : f32 to vector<16xf32>
        %mul3A_335 = arith.mulf %get3A_332, %mul3A_334 : vector<16xf32>
        %get3A_336 = arith.index_cast %add3A_211 : i32 to index
        %get3A_337 = arith.constant 112 : index
        %get3A_338 = tpu.vector_load %arg7[%get3A_336, %get3A_337] {strides = array<i32>} : memref<200x128xf32, #tpu.memory_space<vmem>>, vector<1x16xf32>,
        %get3A_339 = vector.shape_cast %get3A_338 : vector<1x16xf32> to vector<16xf32>
        %add3A_340 = arith.addf %mul3A_335, %get3A_339 : vector<16xf32>
        %swap3A_341 = arith.index_cast %add3A_211 : i32 to index
        %swap3A_342 = arith.constant 112 : index
        %swap3A_343 = tpu.vector_load %arg9[%swap3A_341, %swap3A_342] {strides = array<i32>} : memref<200x128xf32, #tpu.memory_space<vmem>>, vector<1x16xf32>,
        %swap3A_344 = vector.shape_cast %swap3A_343 : vector<1x16xf32> to vector<16xf32>
        %swap3A_345 = vector.shape_cast %add3A_340 : vector<16xf32> to vector<1x16xf32>
        tpu.vector_store %arg9[%swap3A_341, %swap3A_342], %swap3A_345 {strides = array<i32>} : memref<200x128xf32, #tpu.memory_space<vmem>>, vector<1x16xf32>,
      }
      %scan3A_150 = arith.constant 200 : i32
      %mul3A_151 = arith.constant 32 : i32
      %mul3A_152 = arith.muli %add3A, %mul3A_151 : i32
      %add3A_153 = arith.addi %mul3A_152, %add3A_119 : i32
      %mul3A_154 = arith.constant 200 : i32
      %mul3A_155 = arith.muli %add3A_153, %mul3A_154 : i32
      %dma_start3A_156 = arith.constant 0 : i32
      %dma_start3A_157 = tpu.memref_slice %arg5[%mul3A_155, %dma_start3A_156] : memref<204800x128xf32, #tpu.memory_space<hbm>> -> memref<200x128xf32, #tpu.memory_space<hbm>>
      %dma_start3A_158 = arith.constant 0 : i32
      %dma_start3A_159 = tpu.memref_slice %arg5[%mul3A_155, %dma_start3A_158] : memref<204800x128xf32, #tpu.memory_space<hbm>> -> memref<200x128xf32, #tpu.memory_space<hbm>>
      tpu.enqueue_dma source(%arg9 : memref<200x128xf32, #tpu.memory_space<vmem>>) target(%dma_start3A_159 : memref<200x128xf32, #tpu.memory_space<hbm>>) target_semaphore(%arg13 : memref<!tpu.dma_semaphore, #tpu.memory_space<semaphore_mem>>)
      %mul3A_160 = arith.constant 2 : i32
      %mul3A_161 = arith.muli %mul3A_160, %add3A_115 : i32
      %add3A_162 = arith.constant 2 : i32
      %add3A_163 = arith.addi %mul3A_161, %add3A_162 : i32
      %add3A_164 = arith.constant 1 : i32
      %add3A_165 = arith.addi %add3A_163, %add3A_164 : i32
      %lt3A_166 = arith.constant 32 : i32
      %lt3A_167 = arith.cmpi slt, %add3A_165, %lt3A_166 : i32
      %convert_element_type3A_168 = arith.extui %lt3A_167 : i1 to i32
      %cond3A_169 = arith.constant 0 : i32
      %cond3A_170 = arith.cmpi ne, %convert_element_type3A_168, %cond3A_169 : i32
      scf.if %cond3A_170 {
        %dma_wait3A_207 = arith.constant 0 : i32
        %dma_wait3A_208 = arith.constant 0 : i32
        %dma_wait3A_209 = tpu.memref_slice %arg5[%dma_wait3A_207, %dma_wait3A_208] : memref<204800x128xf32, #tpu.memory_space<hbm>> -> memref<200x128xf32, #tpu.memory_space<hbm>>
        %dma_wait3A_210 = arith.constant 0 : i32
        %dma_wait3A_211 = arith.constant 0 : i32
        %dma_wait3A_212 = tpu.memref_slice %arg5[%dma_wait3A_210, %dma_wait3A_211] : memref<204800x128xf32, #tpu.memory_space<hbm>> -> memref<200x128xf32, #tpu.memory_space<hbm>>
        tpu.wait_dma2 semaphore(%arg13 : memref<!tpu.dma_semaphore, #tpu.memory_space<semaphore_mem>>) src(%arg9 : memref<200x128xf32, #tpu.memory_space<vmem>>) dst(%dma_wait3A_212 : memref<200x128xf32, #tpu.memory_space<hbm>>)
        %add3A_213 = arith.constant 1 : i32
        %add3A_214 = arith.addi %add3A_163, %add3A_213 : i32
        %mul3A_215 = arith.constant 200 : i32
        %mul3A_216 = arith.muli %add3A_214, %mul3A_215 : i32
        %add3A_217 = arith.constant 0 : i32
        %add3A_218 = arith.addi %mul3A_216, %add3A_217 : i32
        %dma_start3A_219 = arith.constant 0 : i32
        %dma_start3A_220 = arith.constant 0 : i32
        %dma_start3A_221 = tpu.memref_slice %arg9[%dma_start3A_219, %dma_start3A_220] : memref<200x128xf32, #tpu.memory_space<vmem>> -> memref<128x128xf32, #tpu.memory_space<vmem>>
        %dma_start3A_222 = tpu.memref_slice %arg6[%add3A_218] : memref<6400xi32, #tpu.memory_space<vmem>> -> memref<128xi32, #tpu.memory_space<vmem>>
        %dma_start3A_223 = arith.constant 0 : i32
        %dma_start3A_224 = arith.constant 0 : i32
        %dma_start3A_225 = tpu.memref_slice %arg2[%dma_start3A_223, %dma_start3A_224] : memref<100000x128xf32, #tpu.memory_space<hbm>> -> memref<100000x128xf32, #tpu.memory_space<hbm>>
        tpu.enqueue_indirect_dma source(%dma_start3A_225 : memref<100000x128xf32, #tpu.memory_space<hbm>>) target(%dma_start3A_221 : memref<128x128xf32, #tpu.memory_space<vmem>>) offsets(%dma_start3A_222 : memref<128xi32, #tpu.memory_space<vmem>>) semaphore(%arg11 : memref<!tpu.dma_semaphore, #tpu.memory_space<semaphore_mem>>)
        %mul3A_226 = arith.constant 200 : i32
        %mul3A_227 = arith.muli %add3A_214, %mul3A_226 : i32
        %add3A_228 = arith.constant 128 : i32
        %add3A_229 = arith.addi %mul3A_227, %add3A_228 : i32
        %dma_start3A_230 = arith.constant 128 : i32
        %dma_start3A_231 = arith.constant 0 : i32
        %dma_start3A_232 = tpu.memref_slice %arg9[%dma_start3A_230, %dma_start3A_231] : memref<200x128xf32, #tpu.memory_space<vmem>> -> memref<72x128xf32, #tpu.memory_space<vmem>>
        %dma_start3A_233 = tpu.memref_slice %arg6[%add3A_229] : memref<6400xi32, #tpu.memory_space<vmem>> -> memref<72xi32, #tpu.memory_space<vmem>>
        %dma_start3A_234 = arith.constant 0 : i32
        %dma_start3A_235 = arith.constant 0 : i32
        %dma_start3A_236 = tpu.memref_slice %arg2[%dma_start3A_234, %dma_start3A_235] : memref<100000x128xf32, #tpu.memory_space<hbm>> -> memref<100000x128xf32, #tpu.memory_space<hbm>>
        tpu.enqueue_indirect_dma source(%dma_start3A_236 : memref<100000x128xf32, #tpu.memory_space<hbm>>) target(%dma_start3A_232 : memref<72x128xf32, #tpu.memory_space<vmem>>) offsets(%dma_start3A_233 : memref<72xi32, #tpu.memory_space<vmem>>) semaphore(%arg11 : memref<!tpu.dma_semaphore, #tpu.memory_space<semaphore_mem>>)
      } else {
      }
      %mul3A_171 = arith.constant 200 : i32
      %mul3A_172 = arith.muli %add3A_163, %mul3A_171 : i32
      %add3A_173 = arith.constant 0 : i32
      %add3A_174 = arith.addi %mul3A_172, %add3A_173 : i32
      %dma_wait3A_175 = arith.constant 0 : i32
      %dma_wait3A_176 = arith.constant 0 : i32
      %dma_wait3A_177 = tpu.memref_slice %arg8[%dma_wait3A_175, %dma_wait3A_176] : memref<200x128xf32, #tpu.memory_space<vmem>> -> memref<128x128xf32, #tpu.memory_space<vmem>>
      %dma_wait3A_178 = tpu.memref_slice %arg6[%add3A_174] : memref<6400xi32, #tpu.memory_space<vmem>> -> memref<128xi32, #tpu.memory_space<vmem>>
      %dma_wait3A_179 = arith.constant 0 : i32
      %dma_wait3A_180 = arith.constant 0 : i32
      %dma_wait3A_181 = tpu.memref_slice %arg2[%dma_wait3A_179, %dma_wait3A_180] : memref<100000x128xf32, #tpu.memory_space<hbm>> -> memref<100000x128xf32, #tpu.memory_space<hbm>>
      tpu.wait_indirect_dma semaphore(%arg10 : memref<!tpu.dma_semaphore, #tpu.memory_space<semaphore_mem>>) src(%dma_wait3A_181 : memref<100000x128xf32, #tpu.memory_space<hbm>>) dst(%dma_wait3A_177 : memref<128x128xf32, #tpu.memory_space<vmem>>)
      %mul3A_182 = arith.constant 200 : i32
      %mul3A_183 = arith.muli %add3A_163, %mul3A_182 : i32
      %add3A_184 = arith.constant 128 : i32
      %add3A_185 = arith.addi %mul3A_183, %add3A_184 : i32
      %dma_wait3A_186 = arith.constant 128 : i32
      %dma_wait3A_187 = arith.constant 0 : i32
      %dma_wait3A_188 = tpu.memref_slice %arg8[%dma_wait3A_186, %dma_wait3A_187] : memref<200x128xf32, #tpu.memory_space<vmem>> -> memref<72x128xf32, #tpu.memory_space<vmem>>
      %dma_wait3A_189 = tpu.memref_slice %arg6[%add3A_185] : memref<6400xi32, #tpu.memory_space<vmem>> -> memref<72xi32, #tpu.memory_space<vmem>>
      %dma_wait3A_190 = arith.constant 0 : i32
      %dma_wait3A_191 = arith.constant 0 : i32
      %dma_wait3A_192 = tpu.memref_slice %arg2[%dma_wait3A_190, %dma_wait3A_191] : memref<100000x128xf32, #tpu.memory_space<hbm>> -> memref<100000x128xf32, #tpu.memory_space<hbm>>
      tpu.wait_indirect_dma semaphore(%arg10 : memref<!tpu.dma_semaphore, #tpu.memory_space<semaphore_mem>>) src(%dma_wait3A_192 : memref<100000x128xf32, #tpu.memory_space<hbm>>) dst(%dma_wait3A_188 : memref<72x128xf32, #tpu.memory_space<vmem>>)
      %scan3A_193 = arith.constant 0 : i32
      %scan3A_194 = arith.constant 200 : i32
      %scan3A_195 = arith.addi %scan3A_193, %scan3A_194 : i32
      %scan3A_196 = arith.constant 1 : i32
      scf.for %scan3A_207 = %scan3A_193 to %scan3A_195 step %scan3A_196  : i32 {
        %mul3A_208 = arith.constant 1 : i32
        %mul3A_209 = arith.muli %scan3A_207, %mul3A_208 : i32
        %add3A_210 = arith.constant 0 : i32
        %add3A_211 = arith.addi %add3A_210, %mul3A_209 : i32
        %get3A = arith.index_cast %add3A_211 : i32 to index
        %get3A_212 = arith.constant 0 : index
        %get3A_213 = tpu.vector_load %arg8[%get3A, %get3A_212] {strides = array<i32>} : memref<200x128xf32, #tpu.memory_space<vmem>>, vector<1x16xf32>,
        %get3A_214 = vector.shape_cast %get3A_213 : vector<1x16xf32> to vector<16xf32>
        %mul3A_215 = arith.constant 11.3137083 : f32
        %mul3A_216 = vector.broadcast %mul3A_215 : f32 to vector<16xf32>
        %mul3A_217 = arith.mulf %get3A_214, %mul3A_216 : vector<16xf32>
        %get3A_218 = arith.index_cast %add3A_211 : i32 to index
        %get3A_219 = arith.constant 0 : index
        %get3A_220 = tpu.vector_load %arg7[%get3A_218, %get3A_219] {strides = array<i32>} : memref<200x128xf32, #tpu.memory_space<vmem>>, vector<1x16xf32>,
        %get3A_221 = vector.shape_cast %get3A_220 : vector<1x16xf32> to vector<16xf32>
        %add3A_222 = arith.addf %mul3A_217, %get3A_221 : vector<16xf32>
        %swap3A = arith.index_cast %add3A_211 : i32 to index
        %swap3A_223 = arith.constant 0 : index
        %swap3A_224 = tpu.vector_load %arg8[%swap3A, %swap3A_223] {strides = array<i32>} : memref<200x128xf32, #tpu.memory_space<vmem>>, vector<1x16xf32>,
        %swap3A_225 = vector.shape_cast %swap3A_224 : vector<1x16xf32> to vector<16xf32>
        %swap3A_226 = vector.shape_cast %add3A_222 : vector<16xf32> to vector<1x16xf32>
        tpu.vector_store %arg8[%swap3A, %swap3A_223], %swap3A_226 {strides = array<i32>} : memref<200x128xf32, #tpu.memory_space<vmem>>, vector<1x16xf32>,
        %get3A_227 = arith.index_cast %add3A_211 : i32 to index
        %get3A_228 = arith.constant 16 : index
        %get3A_229 = tpu.vector_load %arg8[%get3A_227, %get3A_228] {strides = array<i32>} : memref<200x128xf32, #tpu.memory_space<vmem>>, vector<1x16xf32>,
        %get3A_230 = vector.shape_cast %get3A_229 : vector<1x16xf32> to vector<16xf32>
        %mul3A_231 = arith.constant 11.3137083 : f32
        %mul3A_232 = vector.broadcast %mul3A_231 : f32 to vector<16xf32>
        %mul3A_233 = arith.mulf %get3A_230, %mul3A_232 : vector<16xf32>
        %get3A_234 = arith.index_cast %add3A_211 : i32 to index
        %get3A_235 = arith.constant 16 : index
        %get3A_236 = tpu.vector_load %arg7[%get3A_234, %get3A_235] {strides = array<i32>} : memref<200x128xf32, #tpu.memory_space<vmem>>, vector<1x16xf32>,
        %get3A_237 = vector.shape_cast %get3A_236 : vector<1x16xf32> to vector<16xf32>
        %add3A_238 = arith.addf %mul3A_233, %get3A_237 : vector<16xf32>
        %swap3A_239 = arith.index_cast %add3A_211 : i32 to index
        %swap3A_240 = arith.constant 16 : index
        %swap3A_241 = tpu.vector_load %arg8[%swap3A_239, %swap3A_240] {strides = array<i32>} : memref<200x128xf32, #tpu.memory_space<vmem>>, vector<1x16xf32>,
        %swap3A_242 = vector.shape_cast %swap3A_241 : vector<1x16xf32> to vector<16xf32>
        %swap3A_243 = vector.shape_cast %add3A_238 : vector<16xf32> to vector<1x16xf32>
        tpu.vector_store %arg8[%swap3A_239, %swap3A_240], %swap3A_243 {strides = array<i32>} : memref<200x128xf32, #tpu.memory_space<vmem>>, vector<1x16xf32>,
        %get3A_244 = arith.index_cast %add3A_211 : i32 to index
        %get3A_245 = arith.constant 32 : index
        %get3A_246 = tpu.vector_load %arg8[%get3A_244, %get3A_245] {strides = array<i32>} : memref<200x128xf32, #tpu.memory_space<vmem>>, vector<1x16xf32>,
        %get3A_247 = vector.shape_cast %get3A_246 : vector<1x16xf32> to vector<16xf32>
        %mul3A_248 = arith.constant 11.3137083 : f32
        %mul3A_249 = vector.broadcast %mul3A_248 : f32 to vector<16xf32>
        %mul3A_250 = arith.mulf %get3A_247, %mul3A_249 : vector<16xf32>
        %get3A_251 = arith.index_cast %add3A_211 : i32 to index
        %get3A_252 = arith.constant 32 : index
        %get3A_253 = tpu.vector_load %arg7[%get3A_251, %get3A_252] {strides = array<i32>} : memref<200x128xf32, #tpu.memory_space<vmem>>, vector<1x16xf32>,
        %get3A_254 = vector.shape_cast %get3A_253 : vector<1x16xf32> to vector<16xf32>
        %add3A_255 = arith.addf %mul3A_250, %get3A_254 : vector<16xf32>
        %swap3A_256 = arith.index_cast %add3A_211 : i32 to index
        %swap3A_257 = arith.constant 32 : index
        %swap3A_258 = tpu.vector_load %arg8[%swap3A_256, %swap3A_257] {strides = array<i32>} : memref<200x128xf32, #tpu.memory_space<vmem>>, vector<1x16xf32>,
        %swap3A_259 = vector.shape_cast %swap3A_258 : vector<1x16xf32> to vector<16xf32>
        %swap3A_260 = vector.shape_cast %add3A_255 : vector<16xf32> to vector<1x16xf32>
        tpu.vector_store %arg8[%swap3A_256, %swap3A_257], %swap3A_260 {strides = array<i32>} : memref<200x128xf32, #tpu.memory_space<vmem>>, vector<1x16xf32>,
        %get3A_261 = arith.index_cast %add3A_211 : i32 to index
        %get3A_262 = arith.constant 48 : index
        %get3A_263 = tpu.vector_load %arg8[%get3A_261, %get3A_262] {strides = array<i32>} : memref<200x128xf32, #tpu.memory_space<vmem>>, vector<1x16xf32>,
        %get3A_264 = vector.shape_cast %get3A_263 : vector<1x16xf32> to vector<16xf32>
        %mul3A_265 = arith.constant 11.3137083 : f32
        %mul3A_266 = vector.broadcast %mul3A_265 : f32 to vector<16xf32>
        %mul3A_267 = arith.mulf %get3A_264, %mul3A_266 : vector<16xf32>
        %get3A_268 = arith.index_cast %add3A_211 : i32 to index
        %get3A_269 = arith.constant 48 : index
        %get3A_270 = tpu.vector_load %arg7[%get3A_268, %get3A_269] {strides = array<i32>} : memref<200x128xf32, #tpu.memory_space<vmem>>, vector<1x16xf32>,
        %get3A_271 = vector.shape_cast %get3A_270 : vector<1x16xf32> to vector<16xf32>
        %add3A_272 = arith.addf %mul3A_267, %get3A_271 : vector<16xf32>
        %swap3A_273 = arith.index_cast %add3A_211 : i32 to index
        %swap3A_274 = arith.constant 48 : index
        %swap3A_275 = tpu.vector_load %arg8[%swap3A_273, %swap3A_274] {strides = array<i32>} : memref<200x128xf32, #tpu.memory_space<vmem>>, vector<1x16xf32>,
        %swap3A_276 = vector.shape_cast %swap3A_275 : vector<1x16xf32> to vector<16xf32>
        %swap3A_277 = vector.shape_cast %add3A_272 : vector<16xf32> to vector<1x16xf32>
        tpu.vector_store %arg8[%swap3A_273, %swap3A_274], %swap3A_277 {strides = array<i32>} : memref<200x128xf32, #tpu.memory_space<vmem>>, vector<1x16xf32>,
        %get3A_278 = arith.index_cast %add3A_211 : i32 to index
        %get3A_279 = arith.constant 64 : index
        %get3A_280 = tpu.vector_load %arg8[%get3A_278, %get3A_279] {strides = array<i32>} : memref<200x128xf32, #tpu.memory_space<vmem>>, vector<1x16xf32>,
        %get3A_281 = vector.shape_cast %get3A_280 : vector<1x16xf32> to vector<16xf32>
        %mul3A_282 = arith.constant 11.3137083 : f32
        %mul3A_283 = vector.broadcast %mul3A_282 : f32 to vector<16xf32>
        %mul3A_284 = arith.mulf %get3A_281, %mul3A_283 : vector<16xf32>
        %get3A_285 = arith.index_cast %add3A_211 : i32 to index
        %get3A_286 = arith.constant 64 : index
        %get3A_287 = tpu.vector_load %arg7[%get3A_285, %get3A_286] {strides = array<i32>} : memref<200x128xf32, #tpu.memory_space<vmem>>, vector<1x16xf32>,
        %get3A_288 = vector.shape_cast %get3A_287 : vector<1x16xf32> to vector<16xf32>
        %add3A_289 = arith.addf %mul3A_284, %get3A_288 : vector<16xf32>
        %swap3A_290 = arith.index_cast %add3A_211 : i32 to index
        %swap3A_291 = arith.constant 64 : index
        %swap3A_292 = tpu.vector_load %arg8[%swap3A_290, %swap3A_291] {strides = array<i32>} : memref<200x128xf32, #tpu.memory_space<vmem>>, vector<1x16xf32>,
        %swap3A_293 = vector.shape_cast %swap3A_292 : vector<1x16xf32> to vector<16xf32>
        %swap3A_294 = vector.shape_cast %add3A_289 : vector<16xf32> to vector<1x16xf32>
        tpu.vector_store %arg8[%swap3A_290, %swap3A_291], %swap3A_294 {strides = array<i32>} : memref<200x128xf32, #tpu.memory_space<vmem>>, vector<1x16xf32>,
        %get3A_295 = arith.index_cast %add3A_211 : i32 to index
        %get3A_296 = arith.constant 80 : index
        %get3A_297 = tpu.vector_load %arg8[%get3A_295, %get3A_296] {strides = array<i32>} : memref<200x128xf32, #tpu.memory_space<vmem>>, vector<1x16xf32>,
        %get3A_298 = vector.shape_cast %get3A_297 : vector<1x16xf32> to vector<16xf32>
        %mul3A_299 = arith.constant 11.3137083 : f32
        %mul3A_300 = vector.broadcast %mul3A_299 : f32 to vector<16xf32>
        %mul3A_301 = arith.mulf %get3A_298, %mul3A_300 : vector<16xf32>
        %get3A_302 = arith.index_cast %add3A_211 : i32 to index
        %get3A_303 = arith.constant 80 : index
        %get3A_304 = tpu.vector_load %arg7[%get3A_302, %get3A_303] {strides = array<i32>} : memref<200x128xf32, #tpu.memory_space<vmem>>, vector<1x16xf32>,
        %get3A_305 = vector.shape_cast %get3A_304 : vector<1x16xf32> to vector<16xf32>
        %add3A_306 = arith.addf %mul3A_301, %get3A_305 : vector<16xf32>
        %swap3A_307 = arith.index_cast %add3A_211 : i32 to index
        %swap3A_308 = arith.constant 80 : index
        %swap3A_309 = tpu.vector_load %arg8[%swap3A_307, %swap3A_308] {strides = array<i32>} : memref<200x128xf32, #tpu.memory_space<vmem>>, vector<1x16xf32>,
        %swap3A_310 = vector.shape_cast %swap3A_309 : vector<1x16xf32> to vector<16xf32>
        %swap3A_311 = vector.shape_cast %add3A_306 : vector<16xf32> to vector<1x16xf32>
        tpu.vector_store %arg8[%swap3A_307, %swap3A_308], %swap3A_311 {strides = array<i32>} : memref<200x128xf32, #tpu.memory_space<vmem>>, vector<1x16xf32>,
        %get3A_312 = arith.index_cast %add3A_211 : i32 to index
        %get3A_313 = arith.constant 96 : index
        %get3A_314 = tpu.vector_load %arg8[%get3A_312, %get3A_313] {strides = array<i32>} : memref<200x128xf32, #tpu.memory_space<vmem>>, vector<1x16xf32>,
        %get3A_315 = vector.shape_cast %get3A_314 : vector<1x16xf32> to vector<16xf32>
        %mul3A_316 = arith.constant 11.3137083 : f32
        %mul3A_317 = vector.broadcast %mul3A_316 : f32 to vector<16xf32>
        %mul3A_318 = arith.mulf %get3A_315, %mul3A_317 : vector<16xf32>
        %get3A_319 = arith.index_cast %add3A_211 : i32 to index
        %get3A_320 = arith.constant 96 : index
        %get3A_321 = tpu.vector_load %arg7[%get3A_319, %get3A_320] {strides = array<i32>} : memref<200x128xf32, #tpu.memory_space<vmem>>, vector<1x16xf32>,
        %get3A_322 = vector.shape_cast %get3A_321 : vector<1x16xf32> to vector<16xf32>
        %add3A_323 = arith.addf %mul3A_318, %get3A_322 : vector<16xf32>
        %swap3A_324 = arith.index_cast %add3A_211 : i32 to index
        %swap3A_325 = arith.constant 96 : index
        %swap3A_326 = tpu.vector_load %arg8[%swap3A_324, %swap3A_325] {strides = array<i32>} : memref<200x128xf32, #tpu.memory_space<vmem>>, vector<1x16xf32>,
        %swap3A_327 = vector.shape_cast %swap3A_326 : vector<1x16xf32> to vector<16xf32>
        %swap3A_328 = vector.shape_cast %add3A_323 : vector<16xf32> to vector<1x16xf32>
        tpu.vector_store %arg8[%swap3A_324, %swap3A_325], %swap3A_328 {strides = array<i32>} : memref<200x128xf32, #tpu.memory_space<vmem>>, vector<1x16xf32>,
        %get3A_329 = arith.index_cast %add3A_211 : i32 to index
        %get3A_330 = arith.constant 112 : index
        %get3A_331 = tpu.vector_load %arg8[%get3A_329, %get3A_330] {strides = array<i32>} : memref<200x128xf32, #tpu.memory_space<vmem>>, vector<1x16xf32>,
        %get3A_332 = vector.shape_cast %get3A_331 : vector<1x16xf32> to vector<16xf32>
        %mul3A_333 = arith.constant 11.3137083 : f32
        %mul3A_334 = vector.broadcast %mul3A_333 : f32 to vector<16xf32>
        %mul3A_335 = arith.mulf %get3A_332, %mul3A_334 : vector<16xf32>
        %get3A_336 = arith.index_cast %add3A_211 : i32 to index
        %get3A_337 = arith.constant 112 : index
        %get3A_338 = tpu.vector_load %arg7[%get3A_336, %get3A_337] {strides = array<i32>} : memref<200x128xf32, #tpu.memory_space<vmem>>, vector<1x16xf32>,
        %get3A_339 = vector.shape_cast %get3A_338 : vector<1x16xf32> to vector<16xf32>
        %add3A_340 = arith.addf %mul3A_335, %get3A_339 : vector<16xf32>
        %swap3A_341 = arith.index_cast %add3A_211 : i32 to index
        %swap3A_342 = arith.constant 112 : index
        %swap3A_343 = tpu.vector_load %arg8[%swap3A_341, %swap3A_342] {strides = array<i32>} : memref<200x128xf32, #tpu.memory_space<vmem>>, vector<1x16xf32>,
        %swap3A_344 = vector.shape_cast %swap3A_343 : vector<1x16xf32> to vector<16xf32>
        %swap3A_345 = vector.shape_cast %add3A_340 : vector<16xf32> to vector<1x16xf32>
        tpu.vector_store %arg8[%swap3A_341, %swap3A_342], %swap3A_345 {strides = array<i32>} : memref<200x128xf32, #tpu.memory_space<vmem>>, vector<1x16xf32>,
      }
      %scan3A_197 = arith.constant 200 : i32
      %mul3A_198 = arith.constant 32 : i32
      %mul3A_199 = arith.muli %add3A, %mul3A_198 : i32
      %add3A_200 = arith.addi %mul3A_199, %add3A_163 : i32
      %mul3A_201 = arith.constant 200 : i32
      %mul3A_202 = arith.muli %add3A_200, %mul3A_201 : i32
      %dma_start3A_203 = arith.constant 0 : i32
      %dma_start3A_204 = tpu.memref_slice %arg5[%mul3A_202, %dma_start3A_203] : memref<204800x128xf32, #tpu.memory_space<hbm>> -> memref<200x128xf32, #tpu.memory_space<hbm>>
      %dma_start3A_205 = arith.constant 0 : i32
      %dma_start3A_206 = tpu.memref_slice %arg5[%mul3A_202, %dma_start3A_205] : memref<204800x128xf32, #tpu.memory_space<hbm>> -> memref<200x128xf32, #tpu.memory_space<hbm>>
      tpu.enqueue_dma source(%arg8 : memref<200x128xf32, #tpu.memory_space<vmem>>) target(%dma_start3A_206 : memref<200x128xf32, #tpu.memory_space<hbm>>) target_semaphore(%arg12 : memref<!tpu.dma_semaphore, #tpu.memory_space<semaphore_mem>>)
    }
    %scan3A_67 = arith.constant 15 : i32
    %dma_wait3A_68 = arith.constant 0 : i32
    %dma_wait3A_69 = arith.constant 0 : i32
    %dma_wait3A_70 = tpu.memref_slice %arg9[%dma_wait3A_68, %dma_wait3A_69] : memref<200x128xf32, #tpu.memory_space<vmem>> -> memref<128x128xf32, #tpu.memory_space<vmem>>
    %dma_wait3A_71 = arith.constant 6200 : i32
    %dma_wait3A_72 = tpu.memref_slice %arg6[%dma_wait3A_71] : memref<6400xi32, #tpu.memory_space<vmem>> -> memref<128xi32, #tpu.memory_space<vmem>>
    %dma_wait3A_73 = arith.constant 0 : i32
    %dma_wait3A_74 = arith.constant 0 : i32
    %dma_wait3A_75 = tpu.memref_slice %arg2[%dma_wait3A_73, %dma_wait3A_74] : memref<100000x128xf32, #tpu.memory_space<hbm>> -> memref<100000x128xf32, #tpu.memory_space<hbm>>
    tpu.wait_indirect_dma semaphore(%arg11 : memref<!tpu.dma_semaphore, #tpu.memory_space<semaphore_mem>>) src(%dma_wait3A_75 : memref<100000x128xf32, #tpu.memory_space<hbm>>) dst(%dma_wait3A_70 : memref<128x128xf32, #tpu.memory_space<vmem>>)
    %dma_wait3A_76 = arith.constant 128 : i32
    %dma_wait3A_77 = arith.constant 0 : i32
    %dma_wait3A_78 = tpu.memref_slice %arg9[%dma_wait3A_76, %dma_wait3A_77] : memref<200x128xf32, #tpu.memory_space<vmem>> -> memref<72x128xf32, #tpu.memory_space<vmem>>
    %dma_wait3A_79 = arith.constant 6328 : i32
    %dma_wait3A_80 = tpu.memref_slice %arg6[%dma_wait3A_79] : memref<6400xi32, #tpu.memory_space<vmem>> -> memref<72xi32, #tpu.memory_space<vmem>>
    %dma_wait3A_81 = arith.constant 0 : i32
    %dma_wait3A_82 = arith.constant 0 : i32
    %dma_wait3A_83 = tpu.memref_slice %arg2[%dma_wait3A_81, %dma_wait3A_82] : memref<100000x128xf32, #tpu.memory_space<hbm>> -> memref<100000x128xf32, #tpu.memory_space<hbm>>
    tpu.wait_indirect_dma semaphore(%arg11 : memref<!tpu.dma_semaphore, #tpu.memory_space<semaphore_mem>>) src(%dma_wait3A_83 : memref<100000x128xf32, #tpu.memory_space<hbm>>) dst(%dma_wait3A_78 : memref<72x128xf32, #tpu.memory_space<vmem>>)
    %scan3A_84 = arith.constant 0 : i32
    %scan3A_85 = arith.constant 200 : i32
    %scan3A_86 = arith.addi %scan3A_84, %scan3A_85 : i32
    %scan3A_87 = arith.constant 1 : i32
    scf.for %scan3A_111 = %scan3A_84 to %scan3A_86 step %scan3A_87  : i32 {
      %mul3A_112 = arith.constant 1 : i32
      %mul3A_113 = arith.muli %scan3A_111, %mul3A_112 : i32
      %add3A_114 = arith.constant 0 : i32
      %add3A_115 = arith.addi %add3A_114, %mul3A_113 : i32
      %get3A = arith.index_cast %add3A_115 : i32 to index
      %get3A_116 = arith.constant 0 : index
      %get3A_117 = tpu.vector_load %arg9[%get3A, %get3A_116] {strides = array<i32>} : memref<200x128xf32, #tpu.memory_space<vmem>>, vector<1x16xf32>,
      %get3A_118 = vector.shape_cast %get3A_117 : vector<1x16xf32> to vector<16xf32>
      %mul3A_119 = arith.constant 11.3137083 : f32
      %mul3A_120 = vector.broadcast %mul3A_119 : f32 to vector<16xf32>
      %mul3A_121 = arith.mulf %get3A_118, %mul3A_120 : vector<16xf32>
      %get3A_122 = arith.index_cast %add3A_115 : i32 to index
      %get3A_123 = arith.constant 0 : index
      %get3A_124 = tpu.vector_load %arg7[%get3A_122, %get3A_123] {strides = array<i32>} : memref<200x128xf32, #tpu.memory_space<vmem>>, vector<1x16xf32>,
      %get3A_125 = vector.shape_cast %get3A_124 : vector<1x16xf32> to vector<16xf32>
      %add3A_126 = arith.addf %mul3A_121, %get3A_125 : vector<16xf32>
      %swap3A = arith.index_cast %add3A_115 : i32 to index
      %swap3A_127 = arith.constant 0 : index
      %swap3A_128 = tpu.vector_load %arg9[%swap3A, %swap3A_127] {strides = array<i32>} : memref<200x128xf32, #tpu.memory_space<vmem>>, vector<1x16xf32>,
      %swap3A_129 = vector.shape_cast %swap3A_128 : vector<1x16xf32> to vector<16xf32>
      %swap3A_130 = vector.shape_cast %add3A_126 : vector<16xf32> to vector<1x16xf32>
      tpu.vector_store %arg9[%swap3A, %swap3A_127], %swap3A_130 {strides = array<i32>} : memref<200x128xf32, #tpu.memory_space<vmem>>, vector<1x16xf32>,
      %get3A_131 = arith.index_cast %add3A_115 : i32 to index
      %get3A_132 = arith.constant 16 : index
      %get3A_133 = tpu.vector_load %arg9[%get3A_131, %get3A_132] {strides = array<i32>} : memref<200x128xf32, #tpu.memory_space<vmem>>, vector<1x16xf32>,
      %get3A_134 = vector.shape_cast %get3A_133 : vector<1x16xf32> to vector<16xf32>
      %mul3A_135 = arith.constant 11.3137083 : f32
      %mul3A_136 = vector.broadcast %mul3A_135 : f32 to vector<16xf32>
      %mul3A_137 = arith.mulf %get3A_134, %mul3A_136 : vector<16xf32>
      %get3A_138 = arith.index_cast %add3A_115 : i32 to index
      %get3A_139 = arith.constant 16 : index
      %get3A_140 = tpu.vector_load %arg7[%get3A_138, %get3A_139] {strides = array<i32>} : memref<200x128xf32, #tpu.memory_space<vmem>>, vector<1x16xf32>,
      %get3A_141 = vector.shape_cast %get3A_140 : vector<1x16xf32> to vector<16xf32>
      %add3A_142 = arith.addf %mul3A_137, %get3A_141 : vector<16xf32>
      %swap3A_143 = arith.index_cast %add3A_115 : i32 to index
      %swap3A_144 = arith.constant 16 : index
      %swap3A_145 = tpu.vector_load %arg9[%swap3A_143, %swap3A_144] {strides = array<i32>} : memref<200x128xf32, #tpu.memory_space<vmem>>, vector<1x16xf32>,
      %swap3A_146 = vector.shape_cast %swap3A_145 : vector<1x16xf32> to vector<16xf32>
      %swap3A_147 = vector.shape_cast %add3A_142 : vector<16xf32> to vector<1x16xf32>
      tpu.vector_store %arg9[%swap3A_143, %swap3A_144], %swap3A_147 {strides = array<i32>} : memref<200x128xf32, #tpu.memory_space<vmem>>, vector<1x16xf32>,
      %get3A_148 = arith.index_cast %add3A_115 : i32 to index
      %get3A_149 = arith.constant 32 : index
      %get3A_150 = tpu.vector_load %arg9[%get3A_148, %get3A_149] {strides = array<i32>} : memref<200x128xf32, #tpu.memory_space<vmem>>, vector<1x16xf32>,
      %get3A_151 = vector.shape_cast %get3A_150 : vector<1x16xf32> to vector<16xf32>
      %mul3A_152 = arith.constant 11.3137083 : f32
      %mul3A_153 = vector.broadcast %mul3A_152 : f32 to vector<16xf32>
      %mul3A_154 = arith.mulf %get3A_151, %mul3A_153 : vector<16xf32>
      %get3A_155 = arith.index_cast %add3A_115 : i32 to index
      %get3A_156 = arith.constant 32 : index
      %get3A_157 = tpu.vector_load %arg7[%get3A_155, %get3A_156] {strides = array<i32>} : memref<200x128xf32, #tpu.memory_space<vmem>>, vector<1x16xf32>,
      %get3A_158 = vector.shape_cast %get3A_157 : vector<1x16xf32> to vector<16xf32>
      %add3A_159 = arith.addf %mul3A_154, %get3A_158 : vector<16xf32>
      %swap3A_160 = arith.index_cast %add3A_115 : i32 to index
      %swap3A_161 = arith.constant 32 : index
      %swap3A_162 = tpu.vector_load %arg9[%swap3A_160, %swap3A_161] {strides = array<i32>} : memref<200x128xf32, #tpu.memory_space<vmem>>, vector<1x16xf32>,
      %swap3A_163 = vector.shape_cast %swap3A_162 : vector<1x16xf32> to vector<16xf32>
      %swap3A_164 = vector.shape_cast %add3A_159 : vector<16xf32> to vector<1x16xf32>
      tpu.vector_store %arg9[%swap3A_160, %swap3A_161], %swap3A_164 {strides = array<i32>} : memref<200x128xf32, #tpu.memory_space<vmem>>, vector<1x16xf32>,
      %get3A_165 = arith.index_cast %add3A_115 : i32 to index
      %get3A_166 = arith.constant 48 : index
      %get3A_167 = tpu.vector_load %arg9[%get3A_165, %get3A_166] {strides = array<i32>} : memref<200x128xf32, #tpu.memory_space<vmem>>, vector<1x16xf32>,
      %get3A_168 = vector.shape_cast %get3A_167 : vector<1x16xf32> to vector<16xf32>
      %mul3A_169 = arith.constant 11.3137083 : f32
      %mul3A_170 = vector.broadcast %mul3A_169 : f32 to vector<16xf32>
      %mul3A_171 = arith.mulf %get3A_168, %mul3A_170 : vector<16xf32>
      %get3A_172 = arith.index_cast %add3A_115 : i32 to index
      %get3A_173 = arith.constant 48 : index
      %get3A_174 = tpu.vector_load %arg7[%get3A_172, %get3A_173] {strides = array<i32>} : memref<200x128xf32, #tpu.memory_space<vmem>>, vector<1x16xf32>,
      %get3A_175 = vector.shape_cast %get3A_174 : vector<1x16xf32> to vector<16xf32>
      %add3A_176 = arith.addf %mul3A_171, %get3A_175 : vector<16xf32>
      %swap3A_177 = arith.index_cast %add3A_115 : i32 to index
      %swap3A_178 = arith.constant 48 : index
      %swap3A_179 = tpu.vector_load %arg9[%swap3A_177, %swap3A_178] {strides = array<i32>} : memref<200x128xf32, #tpu.memory_space<vmem>>, vector<1x16xf32>,
      %swap3A_180 = vector.shape_cast %swap3A_179 : vector<1x16xf32> to vector<16xf32>
      %swap3A_181 = vector.shape_cast %add3A_176 : vector<16xf32> to vector<1x16xf32>
      tpu.vector_store %arg9[%swap3A_177, %swap3A_178], %swap3A_181 {strides = array<i32>} : memref<200x128xf32, #tpu.memory_space<vmem>>, vector<1x16xf32>,
      %get3A_182 = arith.index_cast %add3A_115 : i32 to index
      %get3A_183 = arith.constant 64 : index
      %get3A_184 = tpu.vector_load %arg9[%get3A_182, %get3A_183] {strides = array<i32>} : memref<200x128xf32, #tpu.memory_space<vmem>>, vector<1x16xf32>,
      %get3A_185 = vector.shape_cast %get3A_184 : vector<1x16xf32> to vector<16xf32>
      %mul3A_186 = arith.constant 11.3137083 : f32
      %mul3A_187 = vector.broadcast %mul3A_186 : f32 to vector<16xf32>
      %mul3A_188 = arith.mulf %get3A_185, %mul3A_187 : vector<16xf32>
      %get3A_189 = arith.index_cast %add3A_115 : i32 to index
      %get3A_190 = arith.constant 64 : index
      %get3A_191 = tpu.vector_load %arg7[%get3A_189, %get3A_190] {strides = array<i32>} : memref<200x128xf32, #tpu.memory_space<vmem>>, vector<1x16xf32>,
      %get3A_192 = vector.shape_cast %get3A_191 : vector<1x16xf32> to vector<16xf32>
      %add3A_193 = arith.addf %mul3A_188, %get3A_192 : vector<16xf32>
      %swap3A_194 = arith.index_cast %add3A_115 : i32 to index
      %swap3A_195 = arith.constant 64 : index
      %swap3A_196 = tpu.vector_load %arg9[%swap3A_194, %swap3A_195] {strides = array<i32>} : memref<200x128xf32, #tpu.memory_space<vmem>>, vector<1x16xf32>,
      %swap3A_197 = vector.shape_cast %swap3A_196 : vector<1x16xf32> to vector<16xf32>
      %swap3A_198 = vector.shape_cast %add3A_193 : vector<16xf32> to vector<1x16xf32>
      tpu.vector_store %arg9[%swap3A_194, %swap3A_195], %swap3A_198 {strides = array<i32>} : memref<200x128xf32, #tpu.memory_space<vmem>>, vector<1x16xf32>,
      %get3A_199 = arith.index_cast %add3A_115 : i32 to index
      %get3A_200 = arith.constant 80 : index
      %get3A_201 = tpu.vector_load %arg9[%get3A_199, %get3A_200] {strides = array<i32>} : memref<200x128xf32, #tpu.memory_space<vmem>>, vector<1x16xf32>,
      %get3A_202 = vector.shape_cast %get3A_201 : vector<1x16xf32> to vector<16xf32>
      %mul3A_203 = arith.constant 11.3137083 : f32
      %mul3A_204 = vector.broadcast %mul3A_203 : f32 to vector<16xf32>
      %mul3A_205 = arith.mulf %get3A_202, %mul3A_204 : vector<16xf32>
      %get3A_206 = arith.index_cast %add3A_115 : i32 to index
      %get3A_207 = arith.constant 80 : index
      %get3A_208 = tpu.vector_load %arg7[%get3A_206, %get3A_207] {strides = array<i32>} : memref<200x128xf32, #tpu.memory_space<vmem>>, vector<1x16xf32>,
      %get3A_209 = vector.shape_cast %get3A_208 : vector<1x16xf32> to vector<16xf32>
      %add3A_210 = arith.addf %mul3A_205, %get3A_209 : vector<16xf32>
      %swap3A_211 = arith.index_cast %add3A_115 : i32 to index
      %swap3A_212 = arith.constant 80 : index
      %swap3A_213 = tpu.vector_load %arg9[%swap3A_211, %swap3A_212] {strides = array<i32>} : memref<200x128xf32, #tpu.memory_space<vmem>>, vector<1x16xf32>,
      %swap3A_214 = vector.shape_cast %swap3A_213 : vector<1x16xf32> to vector<16xf32>
      %swap3A_215 = vector.shape_cast %add3A_210 : vector<16xf32> to vector<1x16xf32>
      tpu.vector_store %arg9[%swap3A_211, %swap3A_212], %swap3A_215 {strides = array<i32>} : memref<200x128xf32, #tpu.memory_space<vmem>>, vector<1x16xf32>,
      %get3A_216 = arith.index_cast %add3A_115 : i32 to index
      %get3A_217 = arith.constant 96 : index
      %get3A_218 = tpu.vector_load %arg9[%get3A_216, %get3A_217] {strides = array<i32>} : memref<200x128xf32, #tpu.memory_space<vmem>>, vector<1x16xf32>,
      %get3A_219 = vector.shape_cast %get3A_218 : vector<1x16xf32> to vector<16xf32>
      %mul3A_220 = arith.constant 11.3137083 : f32
      %mul3A_221 = vector.broadcast %mul3A_220 : f32 to vector<16xf32>
      %mul3A_222 = arith.mulf %get3A_219, %mul3A_221 : vector<16xf32>
      %get3A_223 = arith.index_cast %add3A_115 : i32 to index
      %get3A_224 = arith.constant 96 : index
      %get3A_225 = tpu.vector_load %arg7[%get3A_223, %get3A_224] {strides = array<i32>} : memref<200x128xf32, #tpu.memory_space<vmem>>, vector<1x16xf32>,
      %get3A_226 = vector.shape_cast %get3A_225 : vector<1x16xf32> to vector<16xf32>
      %add3A_227 = arith.addf %mul3A_222, %get3A_226 : vector<16xf32>
      %swap3A_228 = arith.index_cast %add3A_115 : i32 to index
      %swap3A_229 = arith.constant 96 : index
      %swap3A_230 = tpu.vector_load %arg9[%swap3A_228, %swap3A_229] {strides = array<i32>} : memref<200x128xf32, #tpu.memory_space<vmem>>, vector<1x16xf32>,
      %swap3A_231 = vector.shape_cast %swap3A_230 : vector<1x16xf32> to vector<16xf32>
      %swap3A_232 = vector.shape_cast %add3A_227 : vector<16xf32> to vector<1x16xf32>
      tpu.vector_store %arg9[%swap3A_228, %swap3A_229], %swap3A_232 {strides = array<i32>} : memref<200x128xf32, #tpu.memory_space<vmem>>, vector<1x16xf32>,
      %get3A_233 = arith.index_cast %add3A_115 : i32 to index
      %get3A_234 = arith.constant 112 : index
      %get3A_235 = tpu.vector_load %arg9[%get3A_233, %get3A_234] {strides = array<i32>} : memref<200x128xf32, #tpu.memory_space<vmem>>, vector<1x16xf32>,
      %get3A_236 = vector.shape_cast %get3A_235 : vector<1x16xf32> to vector<16xf32>
      %mul3A_237 = arith.constant 11.3137083 : f32
      %mul3A_238 = vector.broadcast %mul3A_237 : f32 to vector<16xf32>
      %mul3A_239 = arith.mulf %get3A_236, %mul3A_238 : vector<16xf32>
      %get3A_240 = arith.index_cast %add3A_115 : i32 to index
      %get3A_241 = arith.constant 112 : index
      %get3A_242 = tpu.vector_load %arg7[%get3A_240, %get3A_241] {strides = array<i32>} : memref<200x128xf32, #tpu.memory_space<vmem>>, vector<1x16xf32>,
      %get3A_243 = vector.shape_cast %get3A_242 : vector<1x16xf32> to vector<16xf32>
      %add3A_244 = arith.addf %mul3A_239, %get3A_243 : vector<16xf32>
      %swap3A_245 = arith.index_cast %add3A_115 : i32 to index
      %swap3A_246 = arith.constant 112 : index
      %swap3A_247 = tpu.vector_load %arg9[%swap3A_245, %swap3A_246] {strides = array<i32>} : memref<200x128xf32, #tpu.memory_space<vmem>>, vector<1x16xf32>,
      %swap3A_248 = vector.shape_cast %swap3A_247 : vector<1x16xf32> to vector<16xf32>
      %swap3A_249 = vector.shape_cast %add3A_244 : vector<16xf32> to vector<1x16xf32>
      tpu.vector_store %arg9[%swap3A_245, %swap3A_246], %swap3A_249 {strides = array<i32>} : memref<200x128xf32, #tpu.memory_space<vmem>>, vector<1x16xf32>,
    }
    %scan3A_88 = arith.constant 200 : i32
    %mul3A_89 = arith.constant 32 : i32
    %mul3A_90 = arith.muli %add3A, %mul3A_89 : i32
    %add3A_91 = arith.constant 31 : i32
    %add3A_92 = arith.addi %mul3A_90, %add3A_91 : i32
    %mul3A_93 = arith.constant 200 : i32
    %mul3A_94 = arith.muli %add3A_92, %mul3A_93 : i32
    %dma_start3A_95 = arith.constant 0 : i32
    %dma_start3A_96 = tpu.memref_slice %arg5[%mul3A_94, %dma_start3A_95] : memref<204800x128xf32, #tpu.memory_space<hbm>> -> memref<200x128xf32, #tpu.memory_space<hbm>>
    %dma_start3A_97 = arith.constant 0 : i32
    %dma_start3A_98 = tpu.memref_slice %arg5[%mul3A_94, %dma_start3A_97] : memref<204800x128xf32, #tpu.memory_space<hbm>> -> memref<200x128xf32, #tpu.memory_space<hbm>>
    tpu.enqueue_dma source(%arg9 : memref<200x128xf32, #tpu.memory_space<vmem>>) target(%dma_start3A_98 : memref<200x128xf32, #tpu.memory_space<hbm>>) target_semaphore(%arg13 : memref<!tpu.dma_semaphore, #tpu.memory_space<semaphore_mem>>)
    %dma_wait3A_99 = arith.constant 0 : i32
    %dma_wait3A_100 = arith.constant 0 : i32
    %dma_wait3A_101 = tpu.memref_slice %arg5[%dma_wait3A_99, %dma_wait3A_100] : memref<204800x128xf32, #tpu.memory_space<hbm>> -> memref<200x128xf32, #tpu.memory_space<hbm>>
    %dma_wait3A_102 = arith.constant 0 : i32
    %dma_wait3A_103 = arith.constant 0 : i32
    %dma_wait3A_104 = tpu.memref_slice %arg5[%dma_wait3A_102, %dma_wait3A_103] : memref<204800x128xf32, #tpu.memory_space<hbm>> -> memref<200x128xf32, #tpu.memory_space<hbm>>
    tpu.wait_dma2 semaphore(%arg12 : memref<!tpu.dma_semaphore, #tpu.memory_space<semaphore_mem>>) src(%arg8 : memref<200x128xf32, #tpu.memory_space<vmem>>) dst(%dma_wait3A_104 : memref<200x128xf32, #tpu.memory_space<hbm>>)
    %dma_wait3A_105 = arith.constant 0 : i32
    %dma_wait3A_106 = arith.constant 0 : i32
    %dma_wait3A_107 = tpu.memref_slice %arg5[%dma_wait3A_105, %dma_wait3A_106] : memref<204800x128xf32, #tpu.memory_space<hbm>> -> memref<200x128xf32, #tpu.memory_space<hbm>>
    %dma_wait3A_108 = arith.constant 0 : i32
    %dma_wait3A_109 = arith.constant 0 : i32
    %dma_wait3A_110 = tpu.memref_slice %arg5[%dma_wait3A_108, %dma_wait3A_109] : memref<204800x128xf32, #tpu.memory_space<hbm>> -> memref<200x128xf32, #tpu.memory_space<hbm>>
    tpu.wait_dma2 semaphore(%arg13 : memref<!tpu.dma_semaphore, #tpu.memory_space<semaphore_mem>>) src(%arg9 : memref<200x128xf32, #tpu.memory_space<vmem>>) dst(%dma_wait3A_110 : memref<200x128xf32, #tpu.memory_space<hbm>>)
    return
  }
}

</mosaic_0001>

<sc_bundles>
// kernel: kernel.3.cloned.1.call-start
scs
__scs_entry_jumppad:
0x0: {  	(pc) =	sbr.rel $0x88, $3  }
0x1: {  	(tag) =	ssettag $0x0;
	lr =	simm.s32 $0x1  }
0x2: {  	[smem:$0x3F9E] =	sst lr;
	_ =	strace $0xD0000000  }
0x3: {  	_ = 	snop  }
0x4: {  	_ = 	snop  }
0x5: {  	_ = 	snop  }
0x6: {  	_ = 	snop  }
0x7: {  	_ = 	snop  }
__scs_overlays_trampoline_lowered:
0x8: {  	[smem:$0x3FAD] =	sst s0  }
0x9: {  	[smem:$0x3FAE] =	sst s1  }
0xa: {  	[smem:$0x3FAF] =	sst s2  }
0xb: {  	[smem:$0x3FB0] =	sst s3  }
0xc: {  	[smem:$0x3FB1] =	sst s4  }
0xd: {  	[smem:$0x3FB2] =	sst s5  }
0xe: {  	[smem:$0x3FB3] =	sst s6  }
0xf: {  	[smem:$0x3FB4] =	sst s7  }
0x10: {  	[smem:$0x3FB5] =	sst s8  }
0x11: {  	[smem:$0x3FB6] =	sst s9;
	s0 =	simm.s32 @!p0 $0x0  }
0x12: {  	s1 =	sld [smem:$0x3F9C];
	s0 =	simm.s32 @p0 $0x1  }
0x13: {  	[smem:$0x3FB7] =	sst s0;
	s0 =	simm.s32 @!p1 $0x0  }
0x14: {  	s2 =	sld [smem:$0x3F9B];
	s0 =	simm.s32 @p1 $0x1  }
0x15: {  	[smem:$0x3FB8] =	sst s0;
	s0 =	simm.s32 @!p2 $0x0  }
0x16: {  	s3 =	sld [smem:$0x3FDB];
	s0 =	simm.s32 @p2 $0x1  }
0x17: {  	s4 =	simm.s32 $0x1BF5;
	[smem:$0x3FBA] =	sst s0  }
0x18: {  	s0 =	sld [smem:$0x3F9D];
	_ =	swait.ge [sflag:s4], $0x0  }
0x19: {  	s7 =	sld [smem:$0x3F9E]  }
0x1a: {  	s8 =	sadd.s32 $0xFFFFE003, lr  }
0x1b: {  	s9 =	sadd.s32 $0xFFFFFEF7, lr;
	s5 =	simm.s32 $0xFFFFFFFF;
	p2 =	slt.u32 s8, $0xFFFFF086  }
0x1c: {  	p1 =	slt.u32 s9, $0xF7A;
	s5 =	simm.s32 @!p2 $0x0  }
0x1d: {  	s5 =	simm.s32 @p1 $0x1;
	p0 =	seq.s32 s7, s2  }
0x1e: {  	s7 =	smul.u32 @!p0 $0xF7A, s2;
	p2 =	seq.s32 @!p0 s5, $0x0  }
0x1f: {  	s9 =	smul.u32 $0xF7A, s1;
	s8 =	simm.s32 @!p0 $0x1BF5;
	p2 =	por !p2, p0  }
0x20: {  	[sflag:s8] =	ssyncset.s32 @!p0 $0xFFFFF086;
	s6 =	sadd.s32 @!p0 s3, s7;
	s7 =	simm.s32 @!p0 $0x108  }
0x21: {  	s3 =	sadd.s32 s3, s9;
	s6 =	sadd.s32 @!p0 $0x88, s6;
	s7 =	simm.s32 @p2 $0x1082  }
0x22: {  	[simem:s7], [sflag:s8] =	dma.local @!p0 [hbm:s6], $0xF7A  }
0x23: {  	s9 =	sor.u32 $0xD0000000, s2;
	s6 =	simm.s32 $0x108;
	_ =	swait.ge @!p0 [sflag:s8], $0x0  }
0x24: {  	s3 =	sadd.s32 $0x88, s3;
	s6 =	simm.s32 @!p1 $0x1082;
	[sflag:s4] =	ssyncset.s32 $0xFFFFF086  }
0x25: {  	[simem:s6], [sflag:s4] =	dma.local [hbm:s3], $0xF7A  }
0x26: {  	[smem:$0x3F9E] =	sst s1;
	(tag) =	ssettag s2;
	_ =	strace s9  }
0x27: {  	s1 =	sld [smem:$0x3FAE]  }
0x28: {  	s2 =	sld [smem:$0x3FAF]  }
0x29: {  	s4 =	sld [smem:$0x3FB1]  }
0x2a: {  	p0 =	seq.s32 s5, $0x0;
	s5 =	sld [smem:$0x3FB2]  }
0x2b: {  	s6 =	sld [smem:$0x3FB3]  }
0x2c: {  	s7 =	sld [smem:$0x3FB4]  }
0x2d: {  	s3 =	simm.s32 $0x108;
	s8 =	sld [smem:$0x3FB5]  }
0x2e: {  	s3 =	simm.s32 @!p0 $0x1082;
	s9 =	sld [smem:$0x3FB6]  }
0x2f: {  	lr =	sadd.s32 s0, s3;
	s0 =	sld [smem:$0x3FAD]  }
0x30: {  	s3 =	sld [smem:$0x3FB0]  }
0x31: {  	[smem:$0x3FB9] =	sst s10  }
0x32: {  	s10 =	sld [smem:$0x3FB7];
	_ =	sdelay $0x3  }
0x33: {  	p0 =	seq.s32 s10, $0x1;
	s10 =	sld [smem:$0x3FB9];
	_ =	sdelay $0x3  }
0x34: {  	[smem:$0x3FB9] =	sst s10  }
0x35: {  	s10 =	sld [smem:$0x3FB8];
	_ =	sdelay $0x3  }
0x36: {  	p1 =	seq.s32 s10, $0x1;
	s10 =	sld [smem:$0x3FB9];
	_ =	sdelay $0x3  }
0x37: {  	[smem:$0x3FB9] =	sst s10  }
0x38: {  	s10 =	sld [smem:$0x3FBA]  }
0x39: {  	_ = 	snop;
	(pc) =	sbr.ind lr, $3  }
0x3a: {  	_ = 	snop  }
0x3b: {  	_ = 	snop  }
0x3c: {  	p2 =	seq.s32 s10, $0x1;
	s10 =	sld [smem:$0x3FB9]  }
0x3d: {  	_ =	shalt  }
0x3e: {  	_ =	shalt  }
0x3f: {  	_ =	shalt  }
0x40: {  	_ =	shalt  }
0x41: {  	_ =	shalt  }
0x42: {  	_ =	shalt  }
0x43: {  	_ =	shalt  }
0x44: {  	_ =	shalt  }
0x45: {  	_ =	shalt  }
0x46: {  	_ =	shalt  }
0x47: {  	_ =	shalt  }
0x48: {  	_ =	shalt  }
0x49: {  	_ =	shalt  }
0x4a: {  	_ =	shalt  }
0x4b: {  	_ =	shalt  }
0x4c: {  	_ =	shalt  }
0x4d: {  	_ =	shalt  }
0x4e: {  	_ =	shalt  }
0x4f: {  	_ =	shalt  }
0x50: {  	_ =	shalt  }
0x51: {  	_ =	shalt  }
0x52: {  	_ =	shalt  }
0x53: {  	_ =	shalt  }
0x54: {  	_ =	shalt  }
0x55: {  	_ =	shalt  }
0x56: {  	_ =	shalt  }
0x57: {  	_ =	shalt  }
0x58: {  	_ =	shalt  }
0x59: {  	_ =	shalt  }
0x5a: {  	_ =	shalt  }
0x5b: {  	_ =	shalt  }
0x5c: {  	_ =	shalt  }
0x5d: {  	_ =	shalt  }
0x5e: {  	_ =	shalt  }
0x5f: {  	_ =	shalt  }
0x60: {  	_ =	shalt  }
0x61: {  	_ =	shalt  }
0x62: {  	_ =	shalt  }
0x63: {  	_ =	shalt  }
0x64: {  	_ =	shalt  }
0x65: {  	_ =	shalt  }
0x66: {  	_ =	shalt  }
0x67: {  	_ =	shalt  }
0x68: {  	_ =	shalt  }
0x69: {  	_ =	shalt  }
0x6a: {  	_ =	shalt  }
0x6b: {  	_ =	shalt  }
0x6c: {  	_ =	shalt  }
0x6d: {  	_ =	shalt  }
0x6e: {  	_ =	shalt  }
0x6f: {  	_ =	shalt  }
0x70: {  	_ =	shalt  }
0x71: {  	_ =	shalt  }
0x72: {  	_ =	shalt  }
0x73: {  	_ =	shalt  }
0x74: {  	_ =	shalt  }
0x75: {  	_ =	shalt  }
0x76: {  	_ =	shalt  }
0x77: {  	_ =	shalt  }
0x78: {  	_ =	shalt  }
0x79: {  	_ =	shalt  }
0x7a: {  	_ =	shalt  }
0x7b: {  	_ =	shalt  }
0x7c: {  	_ =	shalt  }
0x7d: {  	_ =	shalt  }
0x7e: {  	_ =	shalt  }
0x7f: {  	_ =	shalt  }
0x80: {  	_ =	shalt  }
0x81: {  	_ =	shalt  }
0x82: {  	_ =	shalt  }
0x83: {  	_ =	shalt  }
0x84: {  	_ =	shalt  }
0x85: {  	_ =	shalt  }
0x86: {  	_ =	shalt  }
0x87: {  	_ =	shalt  }
.Lfunc_end0:
.L_simem_size_0:
called_computation_lowered:
.L_overlay_start_0:
0x88: {  	s2 =	sld [smem:$0x3FD9]  }
0x89: {  	s3 =	sld [smem:$0x3FFE];
	_ =	sdelay $0x1  }
0x8a: {  	s1 =	srdreg.scid  }
0x8b: {  	s0 =	sand.u32 $0x1, s1  }
0x8c: {  	s17 =	sshll.u32 s0, $0xA;
	s2 =	sadd.s32 s3, s2  }
0x8d: {  	s2 =	sadd.s32 s2, s17  }
0x8e: {  	[smem:$0x3FC5] =	sst s2  }
0x8f: {  	_ = 	snop  }
0x90: {  	s2 =	sld [smem:$0x3FC8]  }
0x91: {  	s18 =	sld [smem:$0x3FD0];
	(tm) =	ssettm $0x1  }
0x92: {  	s4 =	sld [smem:$0x3FFB];
	_ =	sdelay $0x3  }
0x93: {  	_ =	strace s4  }
0x94: {  	s4 =	sld [smem:$0x3FFC];
	_ =	sdelay $0x3  }
0x95: {  	_ =	strace s4  }
0x96: {  	s4 =	sld [smem:$0x3FFD];
	_ =	sdelay $0x3  }
0x97: {  	_ =	strace s4  }
0x98: {  	_ =	strace $0x8FFFFFFF  }
0x99: {  	s19 =	sld [smem:$0x3FDB];
	_ =	sdelay $0x1  }
0x9a: {  	s5 =	simm.s32 $_scs_section_size  }
0x9b: {  	s6 =	simm.s32 $_size__tile_overlayer_lowered;
	s7 =	simm.s32 $_tile_overlayer_lowered  }
0x9c: {  	s22 =	simm.s32 $0x1BFF;
	s21 =	sshll.u32 s7, $0x1;
	s4 =	sadd.s32 s5, s19  }
0x9d: {  	s8 =	simm.s32 $0x0;
	s20 =	sshll.u32 s6, $0x1;
	s6 =	sadd.s32 s21, s4  }
0x9e: {  	[timem:s8], [sflag:s22] =	dma.local [hbm:s6], s20  }
0x9f: {  	_ =	swait.ge [sflag:s22], s20  }
0xa0: {  	s5 =	ssub.s32 $0x0, s20;
	[sflag:s22] =	ssyncset.done $0x0  }
0xa1: {  	[sflag:s22] =	ssyncadd.s32 s5;
	_ =	sdelay $0x1  }
0xa2: {  	s23 =	simm.s32 $0x1B8B  }
0xa3: {  	_ =	swait.ge [sflag:s23], $0x1  }
0xa4: {  	[sflag:s23] =	ssyncset.done $0x0  }
0xa5: {  	s25 =	simm.s32 $0x1B8E;
	s24 =	sld [smem:$0x3FFE];
	[sflag:s23] =	ssyncadd.s32 $0xFFFFFFFF  }
0xa6: {  	s26 =	simm.s32 $execute0_lowered;
	[smem:$0x3FD2] =	sst s25  }
0xa7: {  	s6 =	sshll.u32 s26, $0x1;
	_ =	strace $0x80000046;
	[dreg:$0x1] =	wrdreg $0xFFFFFFFF  }
0xa8: {  	s28 =	simm.s32 $_size_execute0_lowered;
	s4 =	sadd.s32 s4, s6;
	[dreg:$0x0] =	wrdreg $0x0  }
0xa9: {  	s6 =	sshll.u32 s28, $0x1;
	[dreg:$0x2] =	wrdreg s4  }
0xaa: {  	[dreg:$0x3] =	wrdreg s6  }
0xab: {  	[dreg:$0x4] =	wrdreg $0xC0  }
0xac: {  	_ =	task [dreg:s8], $0x5FFFF  }
0xad: {  	[dreg:$0x1] =	wrdreg $0xFFFFFFFF  }
0xae: {  	[dreg:$0x0] =	wrdreg $0x60  }
0xaf: {  	[dreg:$0x2] =	wrdreg s2  }
0xb0: {  	[dreg:$0x3] =	wrdreg s24  }
0xb1: {  	[dreg:$0x4] =	wrdreg s18  }
0xb2: {  	[dreg:$0x5] =	wrdreg $0x9  }
0xb3: {  	_ =	task.clear_ibuf [dreg:s8], $0x6FFFF;
	_ =	strace $0x90000046  }
0xb4: {  	s29 =	simm.s32 $0x9;
	_ =	strace $0x80000048  }
0xb5: {  	_ =	swait.ge [sflag:s29], $0x1  }
0xb6: {  	[sflag:s29] =	ssyncadd.s32 $0xFFFFFFFF  }
0xb7: {  	_ =	strace $0x90000048  }
0xb8: {  	_ =	sfence  }
0xb9: {  	s30 =	sld [smem:$0x0];
	_ =	sdelay $0x2  }
0xba: {  	s31 =	sshll.u32 s1, $0xD;
	s1 =	sshrl.u32 s1, $0x2  }
0xbb: {  	s3 =	sand.u32 $0x4000, s31;
	s1 =	sadd.s32 s1, s30  }
0xbc: {  	s0 =	sor.u32 s3, s0;
	s1 =	sshll.u32 s1, $0x11  }
0xbd: {  	s0 =	sor.u32 s1, s0  }
0xbe: {  	s0 =	sadd.s32 $0x8F2B, s0  }
0xbf: {  	[sflag:s0] =	ssyncadd.remote.s32 $0x1  }
0xc0: {  	_ =	sfence.sel $0xFFFF  }
0xc1: {  	[dreg:$0x0] =	wrdreg $0xFFFFFFFF;
	(pc) =	sbr.abs _section_cstart, $3  }
0xc2: {  	[dreg:$0x1] =	wrdreg $0xFFFFFFFF  }
0xc3: {  	_ =	task.clear_ibuf [dreg:s8], $0x2FFFF;
	_ =	strace $0x9FFFFFFF  }
0xc4: {  	(tm) =	ssettm $0x7FFFFFFF  }
0xc5: {  	_ =	shalt  }
tec
execute0_lowered:
.L_overlay_start_1:
0x0: {  	(tag) =	ssettag $0x1  }
0x1: {  	s1 =	rddreg [dreg:$0x0]  }
0x2: {  	s5 =	rddreg [dreg:$0x1];
	s2 =	srdreg.scid  }
0x3: {  	s0 =	stileid.u32;
	s3 =	rddreg [dreg:$0x2]  }
0x4: {  	s4 =	simm.s32 $0x0;
	s12 =	simm.s32 $0x1900;
	s13 =	simm.s32 $0x80  }
0x5: {  	s14 =	simm.s32 $0x7D00;
	s15 =	simm.s32 $0x48;
	s16 =	simm.s32 $0xBD00  }
0x6: {  	s17 =	simm.s32 $0xC8;
	s18 =	simm.s32 $0xE100;
	s19 =	simm.s32 $0x148  }
0x7: {  	s20 =	simm.s32 $0x12100;
	s21 =	simm.s32 $0x1;
	s22 =	simm.s32 $0x3  }
0x8: {  	s23 =	simm.s32 $0x2;
	s6 =	sand.u32 $0x1, s2;
	s7 =	sshll.u32 s0, $0x1  }
0x9: {  	s24 =	simm.s32 $0x4;
	s25 =	simm.s32 $0x0;
	s8 =	sor.u32 s6, s7  }
0xa: {  	[smem:$0x7FF] =	sst s4;
	s6 =	ssub.s32 $0x2, s6;
	s7 =	smul.u32 $0x320, s8  }
0xb: {  	_ =	strace $0x80000047;
	s9 =	smul.u32 $0xC8000, s8;
	s10 =	sshrl.u32 s6, $0x1  }
0xc: {  	s11 =	smul.u32 $0x19000, s8;
	s8 =	sshll.u32 s8, $0x5;
	s10 =	ssub.s32 s6, s10  }
0xd: {  	s7 =	sadd.s32 s7, s5;
	s5 =	sadd.s32 $0x400, s5;
	s9 =	sshrl.u32 s9, $0x3  }
0xe: {  	s10 =	smax.u32 s10, $0x1;
	s6 =	sadd.s32 $0x1200, s7;
	s9 =	sadd.s32 s3, s9  }
0xf: {  	s7 =	sadd.s32 s3, s11;
	s11 =	simm.s32 $0x5;
	s9 =	sadd.s32 $0x18380, s9  }
.LBB2_1:
0x10: {  	[tilespmem:s4], [sflag:$0x5] =	stream.linear.gather [hbm4b:s6+s4], $0x1900, $0x38;
	[tilespmem:$0x14500] =	vst v63  }
0x11: {  	_ =	swait.ge [sflag:s11], $0x1900  }
0x12: {  	[sflag:s11] =	ssyncset.done $0x0  }
0x13: {  	[sflag:s11] =	ssyncadd.s32 $0xFFFFE700  }
0x14: {  	[tilespmem:s12], [sflag:$0x5] =	stream.linear.gather [hbm4b:s5+s4], $0x6400, $0x38;
	[tilespmem:$0x14500] =	vst v63  }
0x15: {  	_ =	swait.ge [sflag:s11], $0x6400  }
0x16: {  	[sflag:s11] =	ssyncset.done $0x0  }
0x17: {  	[sflag:s11] =	ssyncadd.s32 $0xFFFF9C00  }
0x18: {  	[tilespmem:s14], [sflag:$0x1] =	stream.indirect.gather [hbm4b:s1+s13], $0x80, s4, s13, $0xb8;
	[tilespmem:$0x14500] =	vst v63  }
0x19: {  	_ = 	snop  }
0x1a: {  	[tilespmem:s16], [sflag:$0x1] =	stream.indirect.gather [hbm4b:s1+s15], $0x80, s13, s15, $0xb8;
	[tilespmem:$0x14500] =	vst v63  }
0x1b: {  	_ = 	snop  }
0x1c: {  	[tilespmem:s18], [sflag:$0x2] =	stream.indirect.gather [hbm4b:s1+s13], $0x80, s17, s13, $0xb8;
	[tilespmem:$0x14500] =	vst v63  }
0x1d: {  	_ = 	snop  }
0x1e: {  	[tilespmem:s20], [sflag:$0x2] =	stream.indirect.gather [hbm4b:s1+s15], $0x80, s19, s15, $0xb8;
	[tilespmem:$0x14500] =	vst v63  }
0x1f: {  	_ =	swait.ge [sflag:s21], $0x4000  }
0x20: {  	[sflag:s21] =	ssyncset.done $0x0  }
0x21: {  	[sflag:s21] =	ssyncadd.s32 $0xFFFFC000  }
0x22: {  	_ =	swait.ge [sflag:s21], $0x2400  }
0x23: {  	[sflag:s21] =	ssyncset.done $0x0  }
0x24: {  	s26 =	simm.s32 $0x0;
	[sflag:s21] =	ssyncadd.s32 $0xFFFFDC00  }
0x25: {  	v5 =	vld [tilespmem:s26+$0x1900]  }
0x26: {  	v4 =	vld [tilespmem:s26+$0x1910]  }
0x27: {  	v3 =	vld [tilespmem:s26+$0x1920]  }
0x28: {  	v2 =	vld [tilespmem:s26+$0x1930]  }
0x29: {  	v1 =	vld [tilespmem:s26+$0x1940]  }
0x2a: {  	v0 =	vld [tilespmem:s26+$0x1950]  }
0x2b: {  	v6 =	vld [tilespmem:s26+$0x7D00]  }
0x2c: {  	v11 =	vld [tilespmem:s26+$0x7D10]  }
0x2d: {  	v10 =	vld [tilespmem:s26+$0x7D20]  }
0x2e: {  	v9 =	vld [tilespmem:s26+$0x7D30]  }
0x2f: {  	v8 =	vld [tilespmem:s26+$0x7D40]  }
0x30: {  	v7 =	vld [tilespmem:s26+$0x7D50];
	v12 =	vmul.f32 $1.131370830e+01, v6  }
0x31: {  	s28 =	simm.s32 $0x200;
	v11 =	vmul.f32 $1.131370830e+01, v11;
	v6 =	vld [tilespmem:s26+$0x7D60]  }
.LBB2_2:
0x32: {  	p0 =	sne.s32 s28, $0x18E00;
	v5 =	vadd.f32 v5, v12;
	v10 =	vmul.f32 $1.131370830e+01, v10;
	v12 =	vld [tilespmem:s26+$0x7D70]  }
0x33: {  	v4 =	vadd.f32 v4, v11;
	v9 =	vmul.f32 $1.131370830e+01, v9;
	v11 =	vld [tilespmem:s26+$0x1960]  }
0x34: {  	s29 =	sshra.s32 s28, $0x2;
	[tilespmem:s26+$0x7D00] =	vst v5;
	v3 =	vadd.f32 v3, v10;
	v8 =	vmul.f32 $1.131370830e+01, v8;
	v10 =	vld [tilespmem:s26+$0x1970]  }
0x35: {  	v5 =	vld [tilespmem:s29+$0x1900];
	[tilespmem:s26+$0x7D10] =	vst v4;
	v2 =	vadd.f32 v2, v9;
	v7 =	vmul.f32 $1.131370830e+01, v7  }
0x36: {  	v4 =	vld [tilespmem:s29+$0x1910];
	[tilespmem:s26+$0x7D20] =	vst v3;
	v1 =	vadd.f32 v1, v8;
	v6 =	vmul.f32 $1.131370830e+01, v6  }
0x37: {  	v3 =	vld [tilespmem:s29+$0x1920];
	[tilespmem:s26+$0x7D30] =	vst v2;
	v0 =	vadd.f32 v0, v7;
	v7 =	vmul.f32 $1.131370830e+01, v12  }
0x38: {  	v2 =	vld [tilespmem:s29+$0x1930];
	[tilespmem:s26+$0x7D40] =	vst v1;
	v6 =	vadd.f32 v11, v6  }
0x39: {  	v1 =	vld [tilespmem:s29+$0x1940];
	[tilespmem:s26+$0x7D50] =	vst v0;
	v7 =	vadd.f32 v10, v7  }
0x3a: {  	v0 =	vld [tilespmem:s29+$0x1950];
	[tilespmem:s26+$0x7D60] =	vst v6  }
0x3b: {  	v6 =	vld [tilespmem:s29+$0x7D00];
	[tilespmem:s26+$0x7D70] =	vst v7;
	s26 =	smov.u32 s29  }
0x3c: {  	v11 =	vld [tilespmem:s26+$0x7D10]  }
.Ltmp0:
0x3d: {  	v10 =	vld [tilespmem:s26+$0x7D20];
	(pc) =	sbr.rel @p0 .LBB2_2-.Ltmp0, $4  }
0x3e: {  	v9 =	vld [tilespmem:s26+$0x7D30]  }
0x3f: {  	v8 =	vld [tilespmem:s26+$0x7D40]  }
0x40: {  	v12 =	vmul.f32 $1.131370830e+01, v6;
	v7 =	vld [tilespmem:s26+$0x7D50]  }
0x41: {  	s28 =	sadd.s32 $0x200, s28;
	v11 =	vmul.f32 $1.131370830e+01, v11;
	v6 =	vld [tilespmem:s26+$0x7D60]  }
0x42: {  	v5 =	vadd.f32 v5, v12;
	v56 =	vld [tilespmem:s26+$0x7D70];
	v10 =	vmul.f32 $1.131370830e+01, v10  }
0x43: {  	v13 =	vld [tilespmem:s26+$0x1960];
	v4 =	vadd.f32 v4, v11;
	v9 =	vmul.f32 $1.131370830e+01, v9  }
0x44: {  	v58 =	vld [tilespmem:s26+$0x1970];
	[tilespmem:s26+$0x7D00] =	vst v5;
	v3 =	vadd.f32 v3, v10;
	v57 =	vmul.f32 $1.131370830e+01, v8  }
0x45: {  	[tilespmem:s26+$0x7D10] =	vst v4;
	v2 =	vadd.f32 v2, v9;
	v59 =	vmul.f32 $1.131370830e+01, v7  }
0x46: {  	[tilespmem:s26+$0x7D20] =	vst v3;
	v1 =	vadd.f32 v1, v57;
	v60 =	vmul.f32 $1.131370830e+01, v6  }
0x47: {  	[tilespmem:s26+$0x7D30] =	vst v2;
	v0 =	vadd.f32 v0, v59;
	v61 =	vmul.f32 $1.131370830e+01, v56  }
0x48: {  	[tilespmem:s26+$0x7D40] =	vst v1;
	v62 =	vadd.f32 v13, v60  }
0x49: {  	[tilespmem:s26+$0x7D50] =	vst v0;
	v63 =	vadd.f32 v58, v61  }
0x4a: {  	[tilespmem:s26+$0x7D60] =	vst v62  }
0x4b: {  	[tilespmem:s26+$0x7D70] =	vst v63;
	s26 =	simm.s32 $0x0  }
0x4c: {  	[hbm4b:s7+s26] =	stream.linear.scatter [tilespmem:s14], [sflag:$0x3], $0x6400, $0x38;
	[tilespmem:$0x14500] =	vst v63  }
.LBB2_4:
0x4d: {  	s29 =	sshll.u32 s26, $0x1  }
0x4e: {  	s28 =	sadd.s32 $0x2, s29  }
0x4f: {  	_ =	swait.ge [sflag:s22], $0x6400;
	s30 =	smul.u32 $0x320, s28  }
0x50: {  	[sflag:s22] =	ssyncset.done $0x0  }
0x51: {  	[sflag:s22] =	ssyncadd.s32 $0xFFFF9C00;
	s30 =	sshra.s32 s30, $0x2  }
0x52: {  	[tilespmem:s14], [sflag:$0x1] =	stream.indirect.gather [hbm4b:s1+s13], $0x80, s30, s13, $0xb8;
	[tilespmem:$0x14500] =	vst v63  }
0x53: {  	s30 =	sadd.s32 $0x80, s30  }
0x54: {  	[tilespmem:s16], [sflag:$0x1] =	stream.indirect.gather [hbm4b:s1+s15], $0x80, s30, s15, $0xb8;
	[tilespmem:$0x14500] =	vst v63  }
0x55: {  	_ =	swait.ge [sflag:s23], $0x4000  }
0x56: {  	[sflag:s23] =	ssyncset.done $0x0  }
0x57: {  	[sflag:s23] =	ssyncadd.s32 $0xFFFFC000  }
0x58: {  	_ =	swait.ge [sflag:s23], $0x2400  }
0x59: {  	[sflag:s23] =	ssyncset.done $0x0  }
0x5a: {  	s30 =	simm.s32 $0x0;
	[sflag:s23] =	ssyncadd.s32 $0xFFFFDC00  }
0x5b: {  	v5 =	vld [tilespmem:s30+$0x1900]  }
0x5c: {  	v4 =	vld [tilespmem:s30+$0x1910]  }
0x5d: {  	v3 =	vld [tilespmem:s30+$0x1920]  }
0x5e: {  	v2 =	vld [tilespmem:s30+$0x1930]  }
0x5f: {  	v1 =	vld [tilespmem:s30+$0x1940]  }
0x60: {  	v0 =	vld [tilespmem:s30+$0x1950]  }
0x61: {  	v6 =	vld [tilespmem:s30+$0xE100]  }
0x62: {  	v11 =	vld [tilespmem:s30+$0xE110]  }
0x63: {  	v10 =	vld [tilespmem:s30+$0xE120]  }
0x64: {  	v9 =	vld [tilespmem:s30+$0xE130]  }
0x65: {  	v8 =	vld [tilespmem:s30+$0xE140]  }
0x66: {  	v7 =	vld [tilespmem:s30+$0xE150];
	v12 =	vmul.f32 $1.131370830e+01, v6  }
0x67: {  	s31 =	simm.s32 $0x200;
	v11 =	vmul.f32 $1.131370830e+01, v11;
	v6 =	vld [tilespmem:s30+$0xE160]  }
.LBB2_5:
0x68: {  	p0 =	sne.s32 s31, $0x18E00;
	v5 =	vadd.f32 v5, v12;
	v10 =	vmul.f32 $1.131370830e+01, v10;
	v12 =	vld [tilespmem:s30+$0xE170]  }
0x69: {  	v4 =	vadd.f32 v4, v11;
	v9 =	vmul.f32 $1.131370830e+01, v9;
	v11 =	vld [tilespmem:s30+$0x1960]  }
0x6a: {  	s2 =	sshra.s32 s31, $0x2;
	[tilespmem:s30+$0xE100] =	vst v5;
	v3 =	vadd.f32 v3, v10;
	v8 =	vmul.f32 $1.131370830e+01, v8;
	v10 =	vld [tilespmem:s30+$0x1970]  }
0x6b: {  	v5 =	vld [tilespmem:s2+$0x1900];
	[tilespmem:s30+$0xE110] =	vst v4;
	v2 =	vadd.f32 v2, v9;
	v7 =	vmul.f32 $1.131370830e+01, v7  }
0x6c: {  	v4 =	vld [tilespmem:s2+$0x1910];
	[tilespmem:s30+$0xE120] =	vst v3;
	v1 =	vadd.f32 v1, v8;
	v6 =	vmul.f32 $1.131370830e+01, v6  }
0x6d: {  	v3 =	vld [tilespmem:s2+$0x1920];
	[tilespmem:s30+$0xE130] =	vst v2;
	v0 =	vadd.f32 v0, v7;
	v7 =	vmul.f32 $1.131370830e+01, v12  }
0x6e: {  	v2 =	vld [tilespmem:s2+$0x1930];
	[tilespmem:s30+$0xE140] =	vst v1;
	v6 =	vadd.f32 v11, v6  }
0x6f: {  	v1 =	vld [tilespmem:s2+$0x1940];
	[tilespmem:s30+$0xE150] =	vst v0;
	v7 =	vadd.f32 v10, v7  }
0x70: {  	v0 =	vld [tilespmem:s2+$0x1950];
	[tilespmem:s30+$0xE160] =	vst v6  }
0x71: {  	v6 =	vld [tilespmem:s2+$0xE100];
	[tilespmem:s30+$0xE170] =	vst v7;
	s30 =	smov.u32 s2  }
0x72: {  	v11 =	vld [tilespmem:s30+$0xE110]  }
.Ltmp1:
0x73: {  	v10 =	vld [tilespmem:s30+$0xE120];
	(pc) =	sbr.rel @p0 .LBB2_5-.Ltmp1, $4  }
0x74: {  	v9 =	vld [tilespmem:s30+$0xE130]  }
0x75: {  	v8 =	vld [tilespmem:s30+$0xE140]  }
0x76: {  	v12 =	vmul.f32 $1.131370830e+01, v6;
	v7 =	vld [tilespmem:s30+$0xE150]  }
0x77: {  	s31 =	sadd.s32 $0x200, s31;
	v11 =	vmul.f32 $1.131370830e+01, v11;
	v6 =	vld [tilespmem:s30+$0xE160]  }
0x78: {  	v5 =	vadd.f32 v5, v12;
	v12 =	vld [tilespmem:s30+$0xE170];
	v10 =	vmul.f32 $1.131370830e+01, v10  }
0x79: {  	v13 =	vld [tilespmem:s30+$0x1960];
	v4 =	vadd.f32 v4, v11;
	v9 =	vmul.f32 $1.131370830e+01, v9  }
0x7a: {  	[tilespmem:s30+$0xE100] =	vst v5;
	v3 =	vadd.f32 v3, v10;
	v5 =	vmul.f32 $1.131370830e+01, v8;
	v8 =	vld [tilespmem:s30+$0x1970]  }
0x7b: {  	[tilespmem:s30+$0xE110] =	vst v4;
	v2 =	vadd.f32 v2, v9;
	v4 =	vmul.f32 $1.131370830e+01, v7  }
0x7c: {  	[tilespmem:s30+$0xE120] =	vst v3;
	v1 =	vadd.f32 v1, v5;
	v3 =	vmul.f32 $1.131370830e+01, v6  }
0x7d: {  	s2 =	sadd.s32 s29, s8;
	[tilespmem:s30+$0xE130] =	vst v2;
	v0 =	vadd.f32 v0, v4;
	v2 =	vmul.f32 $1.131370830e+01, v12  }
0x7e: {  	s2 =	smul.u32 $0xC80, s2;
	[tilespmem:s30+$0xE140] =	vst v1;
	v1 =	vadd.f32 v13, v3  }
0x7f: {  	[tilespmem:s30+$0xE150] =	vst v0;
	v0 =	vadd.f32 v8, v2  }
0x80: {  	s2 =	sadd.s32 s3, s2;
	[tilespmem:s30+$0xE160] =	vst v1  }
0x81: {  	s29 =	simm.s32 $0x0;
	s31 =	smul.u32 $0x640, s26;
	s2 =	sadd.s32 $0xC80, s2;
	[tilespmem:s30+$0xE170] =	vst v0  }
0x82: {  	[hbm4b:s2+s29] =	stream.linear.scatter [tilespmem:s18], [sflag:$0x4], $0x6400, $0x38;
	[tilespmem:$0x14500] =	vst v63  }
0x83: {  	_ =	swait.ge [sflag:s24], $0x6400  }
0x84: {  	s2 =	sshra.s32 s31, $0x2;
	[sflag:s24] =	ssyncset.done $0x0  }
0x85: {  	s29 =	sadd.s32 $0x258, s2;
	[sflag:s24] =	ssyncadd.s32 $0xFFFF9C00  }
0x86: {  	[tilespmem:s18], [sflag:$0x2] =	stream.indirect.gather [hbm4b:s1+s13], $0x80, s29, s13, $0xb8;
	[tilespmem:$0x14500] =	vst v63  }
0x87: {  	s2 =	sadd.s32 $0x2D8, s2  }
0x88: {  	[tilespmem:s20], [sflag:$0x2] =	stream.indirect.gather [hbm4b:s1+s15], $0x80, s2, s15, $0xb8;
	[tilespmem:$0x14500] =	vst v63  }
0x89: {  	_ =	swait.ge [sflag:s21], $0x4000  }
0x8a: {  	[sflag:s21] =	ssyncset.done $0x0  }
0x8b: {  	[sflag:s21] =	ssyncadd.s32 $0xFFFFC000  }
0x8c: {  	_ =	swait.ge [sflag:s21], $0x2400  }
0x8d: {  	[sflag:s21] =	ssyncset.done $0x0  }
0x8e: {  	s29 =	simm.s32 $0x0;
	[sflag:s21] =	ssyncadd.s32 $0xFFFFDC00  }
0x8f: {  	v5 =	vld [tilespmem:s29+$0x1900]  }
0x90: {  	v4 =	vld [tilespmem:s29+$0x1910]  }
0x91: {  	v3 =	vld [tilespmem:s29+$0x1920]  }
0x92: {  	v2 =	vld [tilespmem:s29+$0x1930]  }
0x93: {  	v1 =	vld [tilespmem:s29+$0x1940]  }
0x94: {  	v0 =	vld [tilespmem:s29+$0x1950]  }
0x95: {  	v6 =	vld [tilespmem:s29+$0x7D00]  }
0x96: {  	v11 =	vld [tilespmem:s29+$0x7D10]  }
0x97: {  	v10 =	vld [tilespmem:s29+$0x7D20]  }
0x98: {  	v9 =	vld [tilespmem:s29+$0x7D30]  }
0x99: {  	v8 =	vld [tilespmem:s29+$0x7D40]  }
0x9a: {  	v7 =	vld [tilespmem:s29+$0x7D50];
	v12 =	vmul.f32 $1.131370830e+01, v6  }
0x9b: {  	s30 =	simm.s32 $0x200;
	v11 =	vmul.f32 $1.131370830e+01, v11;
	v6 =	vld [tilespmem:s29+$0x7D60]  }
.LBB2_7:
0x9c: {  	p0 =	sne.s32 s30, $0x18E00;
	v5 =	vadd.f32 v5, v12;
	v10 =	vmul.f32 $1.131370830e+01, v10;
	v12 =	vld [tilespmem:s29+$0x7D70]  }
0x9d: {  	v4 =	vadd.f32 v4, v11;
	v9 =	vmul.f32 $1.131370830e+01, v9;
	v11 =	vld [tilespmem:s29+$0x1960]  }
0x9e: {  	s2 =	sshra.s32 s30, $0x2;
	[tilespmem:s29+$0x7D00] =	vst v5;
	v3 =	vadd.f32 v3, v10;
	v8 =	vmul.f32 $1.131370830e+01, v8;
	v10 =	vld [tilespmem:s29+$0x1970]  }
0x9f: {  	v5 =	vld [tilespmem:s2+$0x1900];
	[tilespmem:s29+$0x7D10] =	vst v4;
	v2 =	vadd.f32 v2, v9;
	v7 =	vmul.f32 $1.131370830e+01, v7  }
0xa0: {  	v4 =	vld [tilespmem:s2+$0x1910];
	[tilespmem:s29+$0x7D20] =	vst v3;
	v1 =	vadd.f32 v1, v8;
	v6 =	vmul.f32 $1.131370830e+01, v6  }
0xa1: {  	v3 =	vld [tilespmem:s2+$0x1920];
	[tilespmem:s29+$0x7D30] =	vst v2;
	v0 =	vadd.f32 v0, v7;
	v7 =	vmul.f32 $1.131370830e+01, v12  }
0xa2: {  	v2 =	vld [tilespmem:s2+$0x1930];
	[tilespmem:s29+$0x7D40] =	vst v1;
	v6 =	vadd.f32 v11, v6  }
0xa3: {  	v1 =	vld [tilespmem:s2+$0x1940];
	[tilespmem:s29+$0x7D50] =	vst v0;
	v7 =	vadd.f32 v10, v7  }
0xa4: {  	v0 =	vld [tilespmem:s2+$0x1950];
	[tilespmem:s29+$0x7D60] =	vst v6  }
0xa5: {  	v6 =	vld [tilespmem:s2+$0x7D00];
	[tilespmem:s29+$0x7D70] =	vst v7;
	s29 =	smov.u32 s2  }
0xa6: {  	v11 =	vld [tilespmem:s29+$0x7D10]  }
.Ltmp2:
0xa7: {  	v10 =	vld [tilespmem:s29+$0x7D20];
	(pc) =	sbr.rel @p0 .LBB2_7-.Ltmp2, $4  }
0xa8: {  	v9 =	vld [tilespmem:s29+$0x7D30]  }
0xa9: {  	v8 =	vld [tilespmem:s29+$0x7D40]  }
0xaa: {  	v12 =	vmul.f32 $1.131370830e+01, v6;
	v7 =	vld [tilespmem:s29+$0x7D50]  }
0xab: {  	s30 =	sadd.s32 $0x200, s30;
	v11 =	vmul.f32 $1.131370830e+01, v11;
	v6 =	vld [tilespmem:s29+$0x7D60]  }
0xac: {  	v5 =	vadd.f32 v5, v12;
	v56 =	vld [tilespmem:s29+$0x7D70];
	v10 =	vmul.f32 $1.131370830e+01, v10  }
0xad: {  	v13 =	vld [tilespmem:s29+$0x1960];
	v4 =	vadd.f32 v4, v11;
	v9 =	vmul.f32 $1.131370830e+01, v9  }
0xae: {  	v58 =	vld [tilespmem:s29+$0x1970];
	[tilespmem:s29+$0x7D00] =	vst v5;
	v3 =	vadd.f32 v3, v10;
	v57 =	vmul.f32 $1.131370830e+01, v8  }
0xaf: {  	[tilespmem:s29+$0x7D10] =	vst v4;
	v2 =	vadd.f32 v2, v9;
	v59 =	vmul.f32 $1.131370830e+01, v7  }
0xb0: {  	s26 =	sadd.s32 $0x1, s26;
	[tilespmem:s29+$0x7D20] =	vst v3;
	v1 =	vadd.f32 v1, v57;
	v60 =	vmul.f32 $1.131370830e+01, v6  }
0xb1: {  	p0 =	sne.s32 s26, $0xF;
	[tilespmem:s29+$0x7D30] =	vst v2;
	v0 =	vadd.f32 v0, v59;
	v61 =	vmul.f32 $1.131370830e+01, v56  }
.Ltmp3:
0xb2: {  	s2 =	sadd.s32 s8, s28;
	[tilespmem:s29+$0x7D40] =	vst v1;
	v62 =	vadd.f32 v13, v60;
	(pc) =	sbr.rel @p0 .LBB2_4-.Ltmp3, $4  }
0xb3: {  	s2 =	smul.u32 $0xC80, s2;
	[tilespmem:s29+$0x7D50] =	vst v0;
	v63 =	vadd.f32 v58, v61  }
0xb4: {  	[tilespmem:s29+$0x7D60] =	vst v62  }
0xb5: {  	s2 =	sadd.s32 s3, s2;
	[tilespmem:s29+$0x7D70] =	vst v63  }
0xb6: {  	[hbm4b:s2+s4] =	stream.linear.scatter [tilespmem:s14], [sflag:$0x3], $0x6400, $0x38;
	[tilespmem:$0x14500] =	vst v63  }
0xb7: {  	_ =	swait.ge [sflag:s23], $0x4000  }
0xb8: {  	[sflag:s23] =	ssyncset.done $0x0  }
0xb9: {  	[sflag:s23] =	ssyncadd.s32 $0xFFFFC000  }
0xba: {  	_ =	swait.ge [sflag:s23], $0x2400  }
0xbb: {  	[sflag:s23] =	ssyncset.done $0x0  }
0xbc: {  	s26 =	simm.s32 $0x0;
	[sflag:s23] =	ssyncadd.s32 $0xFFFFDC00  }
0xbd: {  	v5 =	vld [tilespmem:s26+$0x1900]  }
0xbe: {  	v4 =	vld [tilespmem:s26+$0x1910]  }
0xbf: {  	v3 =	vld [tilespmem:s26+$0x1920]  }
0xc0: {  	v2 =	vld [tilespmem:s26+$0x1930]  }
0xc1: {  	v1 =	vld [tilespmem:s26+$0x1940]  }
0xc2: {  	v0 =	vld [tilespmem:s26+$0x1950]  }
0xc3: {  	v6 =	vld [tilespmem:s26+$0xE100]  }
0xc4: {  	v11 =	vld [tilespmem:s26+$0xE110]  }
0xc5: {  	v10 =	vld [tilespmem:s26+$0xE120]  }
0xc6: {  	v9 =	vld [tilespmem:s26+$0xE130]  }
0xc7: {  	v8 =	vld [tilespmem:s26+$0xE140]  }
0xc8: {  	v7 =	vld [tilespmem:s26+$0xE150];
	v12 =	vmul.f32 $1.131370830e+01, v6  }
0xc9: {  	s28 =	simm.s32 $0x200;
	v11 =	vmul.f32 $1.131370830e+01, v11;
	v6 =	vld [tilespmem:s26+$0xE160]  }
.LBB2_10:
0xca: {  	p0 =	sne.s32 s28, $0x18E00;
	v5 =	vadd.f32 v5, v12;
	v10 =	vmul.f32 $1.131370830e+01, v10;
	v12 =	vld [tilespmem:s26+$0xE170]  }
0xcb: {  	v4 =	vadd.f32 v4, v11;
	v9 =	vmul.f32 $1.131370830e+01, v9;
	v11 =	vld [tilespmem:s26+$0x1960]  }
0xcc: {  	s2 =	sshra.s32 s28, $0x2;
	[tilespmem:s26+$0xE100] =	vst v5;
	v3 =	vadd.f32 v3, v10;
	v8 =	vmul.f32 $1.131370830e+01, v8;
	v10 =	vld [tilespmem:s26+$0x1970]  }
0xcd: {  	v5 =	vld [tilespmem:s2+$0x1900];
	[tilespmem:s26+$0xE110] =	vst v4;
	v2 =	vadd.f32 v2, v9;
	v7 =	vmul.f32 $1.131370830e+01, v7  }
0xce: {  	v4 =	vld [tilespmem:s2+$0x1910];
	[tilespmem:s26+$0xE120] =	vst v3;
	v1 =	vadd.f32 v1, v8;
	v6 =	vmul.f32 $1.131370830e+01, v6  }
0xcf: {  	v3 =	vld [tilespmem:s2+$0x1920];
	[tilespmem:s26+$0xE130] =	vst v2;
	v0 =	vadd.f32 v0, v7;
	v7 =	vmul.f32 $1.131370830e+01, v12  }
0xd0: {  	v2 =	vld [tilespmem:s2+$0x1930];
	[tilespmem:s26+$0xE140] =	vst v1;
	v6 =	vadd.f32 v11, v6  }
0xd1: {  	v1 =	vld [tilespmem:s2+$0x1940];
	[tilespmem:s26+$0xE150] =	vst v0;
	v7 =	vadd.f32 v10, v7  }
0xd2: {  	v0 =	vld [tilespmem:s2+$0x1950];
	[tilespmem:s26+$0xE160] =	vst v6  }
0xd3: {  	v6 =	vld [tilespmem:s2+$0xE100];
	[tilespmem:s26+$0xE170] =	vst v7;
	s26 =	smov.u32 s2  }
0xd4: {  	v11 =	vld [tilespmem:s26+$0xE110]  }
.Ltmp4:
0xd5: {  	v10 =	vld [tilespmem:s26+$0xE120];
	(pc) =	sbr.rel @p0 .LBB2_10-.Ltmp4, $4  }
0xd6: {  	v9 =	vld [tilespmem:s26+$0xE130]  }
0xd7: {  	v8 =	vld [tilespmem:s26+$0xE140]  }
0xd8: {  	v12 =	vmul.f32 $1.131370830e+01, v6;
	v7 =	vld [tilespmem:s26+$0xE150]  }
0xd9: {  	s28 =	sadd.s32 $0x200, s28;
	v11 =	vmul.f32 $1.131370830e+01, v11;
	v6 =	vld [tilespmem:s26+$0xE160]  }
0xda: {  	v5 =	vadd.f32 v5, v12;
	v56 =	vld [tilespmem:s26+$0xE170];
	v10 =	vmul.f32 $1.131370830e+01, v10  }
0xdb: {  	v13 =	vld [tilespmem:s26+$0x1960];
	v4 =	vadd.f32 v4, v11;
	v9 =	vmul.f32 $1.131370830e+01, v9  }
0xdc: {  	v58 =	vld [tilespmem:s26+$0x1970];
	[tilespmem:s26+$0xE100] =	vst v5;
	v3 =	vadd.f32 v3, v10;
	v57 =	vmul.f32 $1.131370830e+01, v8  }
0xdd: {  	[tilespmem:s26+$0xE110] =	vst v4;
	v2 =	vadd.f32 v2, v9;
	v59 =	vmul.f32 $1.131370830e+01, v7  }
0xde: {  	[tilespmem:s26+$0xE120] =	vst v3;
	v1 =	vadd.f32 v1, v57;
	v60 =	vmul.f32 $1.131370830e+01, v6  }
0xdf: {  	[tilespmem:s26+$0xE130] =	vst v2;
	v0 =	vadd.f32 v0, v59;
	v61 =	vmul.f32 $1.131370830e+01, v56  }
0xe0: {  	[tilespmem:s26+$0xE140] =	vst v1;
	v62 =	vadd.f32 v13, v60  }
0xe1: {  	[tilespmem:s26+$0xE150] =	vst v0;
	v63 =	vadd.f32 v58, v61  }
0xe2: {  	[tilespmem:s26+$0xE160] =	vst v62  }
0xe3: {  	s25 =	sadd.s32 $0x1, s25;
	[tilespmem:s26+$0xE170] =	vst v63  }
0xe4: {  	[hbm4b:s9+s4] =	stream.linear.scatter [tilespmem:s18], [sflag:$0x4], $0x6400, $0x38;
	[tilespmem:$0x14500] =	vst v63  }
0xe5: {  	p0 =	sne.s32 s25, s10;
	_ =	swait.ge [sflag:s22], $0x6400  }
.Ltmp5:
0xe6: {  	[sflag:s22] =	ssyncset.done $0x0;
	(pc) =	sbr.rel @p0 .LBB2_1-.Ltmp5, $4  }
0xe7: {  	[sflag:s22] =	ssyncadd.s32 $0xFFFF9C00  }
0xe8: {  	_ =	swait.ge [sflag:s24], $0x6400  }
0xe9: {  	[sflag:s24] =	ssyncset.done $0x0  }
0xea: {  	[sflag:s24] =	ssyncadd.s32 $0xFFFF9C00  }
0xeb: {  	_ =	sfence.sel $0x180000  }
0xec: {  	[bflag:$0x0] =	sbarrier.arrive $0xFFFF  }
0xed: {  	_ =	strace $0x90000047  }
0xee: {  	[bflag:$0x2] =	sbarrier.arrive $0xFFFF  }
0xef: {  	p0 =	sne.s32 s0, $0x0;
	s0 =	rddreg [dreg:$0x3]  }
0xf0: {  	s0 =	sadd.s32 @!p0 $0x100000, s0  }
0xf1: {  	[sflag:s0] =	ssyncadd.tile.s32 @!p0 $0x1;
	_ =	shalt  }
.Lfunc_end2:
_tile_overlayer_lowered:
.L_overlay_start_2:
0xf2: {  	(tag) =	ssettag $0x2  }
0xf3: {  	s0 =	rddreg [dreg:$0x0];
	s2 =	stileid.u32  }
0xf4: {  	s1 =	rddreg [dreg:$0x1];
	p0 =	sne.s32 s2, $0x0  }
0xf5: {  	s3 =	rddreg [dreg:$0x2];
	[bflag:$0x3] =	sbarrier.arrive $0xFFFF;
	s2 =	simm.s32 @!p0 $0x1C05  }
0xf6: {  	[timem:s3], [sflag:s2] =	dma.local @!p0 [hbm:s0], s1  }
0xf7: {  	s0 =	simm.s32 @!p0 $0x5  }
0xf8: {  	_ =	swait.ge @!p0 [sflag:s0], s1  }
0xf9: {  	s1 =	ssub.s32 @!p0 $0x0, s1;
	[sflag:s0] =	ssyncset.done @!p0 $0x0  }
0xfa: {  	[sflag:s0] =	ssyncadd.s32 @!p0 s1  }
0xfb: {  	[bflag:$0x3] =	sbarrier.arrive $0xFFFF  }
0xfc: {  	_ =	shalt  }

</sc_bundles>
